<compile_context>
chip_gen: v7x
topology: tpu7x:2x2x1
jax: 0.10.2.dev20260603
libtpu: 0.0.44.dev20260713+nightly
codegen_flags: <defaults>
</compile_context>

<pallas_src>
import functools

import jax
import jax.numpy as jnp
from jax import lax
from jax.experimental import pallas as pl
from jax.experimental.pallas import tpu as pltpu
from jax.experimental.pallas import tpu_sc as plsc

N_NODES = 10000
N_EDGES = 320000
CH = 128

NC = 2
NS = 16
NW = NC * NS
ECH = 128
NCHUNK = 79
EPW = NCHUNK * ECH
E_PAD = NW * EPW
N_TRASH = 64
N_ACC = 10240
RPT = 624
RPT_LAST = N_NODES - RPT * (NS - 1)

_MESH = plsc.VectorSubcoreMesh(
    core_axis_name="c", subcore_axis_name="s", num_cores=NC, num_subcores=NS)


def _deg_body(edges_hbm, ones_hbm, zeros_hbm, deg_out,
              dst_v, ones_v, deg_sh, dsem, fsem):
  c = lax.axis_index("c")
  s = lax.axis_index("s")
  w = s * NC + c
  base = w * EPW

  def dfetch(j):
    pltpu.async_copy(
        edges_hbm.at[pl.ds(1, 1), pl.ds(base + j * ECH, ECH)],
        dst_v.at[pl.ds(j, 1)], fsem)

  def dfetch_wait(j):
    pltpu.make_async_copy(
        edges_hbm.at[pl.ds(1, 1), pl.ds(base + j * ECH, ECH)],
        dst_v.at[pl.ds(j, 1)], fsem).wait()

  def scat_start(j):
    pltpu.async_copy(ones_v, deg_sh.at[dst_v.at[j]], dsem, add=True)

  def scat_wait(j):
    pltpu.make_async_copy(ones_v, deg_sh.at[dst_v.at[j]], dsem).wait()

  @pl.when(s == 0)
  def _():
    pltpu.sync_copy(zeros_hbm, deg_sh)

  pltpu.sync_copy(ones_hbm, ones_v)

  @pl.loop(0, 8)
  def _(j):
    dfetch(j)

  plsc.subcore_barrier()

  @pl.loop(0, NCHUNK)
  def _(j):
    @pl.when(j + 8 < NCHUNK)
    def _():
      dfetch(j + 8)

    dfetch_wait(j)
    scat_start(j)

    @pl.when(j >= 4)
    def _():
      scat_wait(j - 4)

  @pl.loop(NCHUNK - 4, NCHUNK)
  def _(j):
    scat_wait(j)

  plsc.subcore_barrier()

  @pl.when(s == 0)
  def _():
    pltpu.sync_copy(deg_sh, deg_out.at[c])


_deg_kernel = functools.partial(
    pl.kernel,
    out_type=jax.ShapeDtypeStruct((NC, N_ACC), jnp.float32),
    mesh=_MESH,
    scratch_types=[
        pltpu.VMEM((NCHUNK, ECH), jnp.int32),
        pltpu.VMEM((ECH,), jnp.float32),
        pltpu.VMEM_SHARED((N_ACC,), jnp.float32),
        pltpu.SemaphoreType.DMA,
        pltpu.SemaphoreType.DMA,
    ],
)(_deg_body)


def _edge_body(g_hbm, edges_hbm, zrow_hbm, out_hbm,
               si, di, b0, b1, acc, is0, is1, is2, is3, g0, g1):
  c = lax.axis_index("c")
  s = lax.axis_index("s")
  w = s * NC + c
  base = w * EPW
  isems = (is0, is1, is2, is3)
  bufs = (b0, b1)
  gsems = (g0, g1)

  def fetch_idx(j, k):
    pltpu.async_copy(edges_hbm.at[pl.ds(0, 1), pl.ds(base + j * ECH, ECH)],
                     si.at[pl.ds(k, 1)], isems[k])
    pltpu.async_copy(edges_hbm.at[pl.ds(1, 1), pl.ds(base + j * ECH, ECH)],
                     di.at[pl.ds(k, 1)], isems[k])

  def wait_idx(j, k):
    pltpu.make_async_copy(
        edges_hbm.at[pl.ds(0, 1), pl.ds(base + j * ECH, ECH)],
        si.at[pl.ds(k, 1)], isems[k]).wait()
    pltpu.make_async_copy(
        edges_hbm.at[pl.ds(1, 1), pl.ds(base + j * ECH, ECH)],
        di.at[pl.ds(k, 1)], isems[k]).wait()

  def start_gather(k, p):
    pltpu.async_copy(g_hbm.at[si.at[k]], bufs[p], gsems[p])

  def wait_gather(k, p):
    pltpu.make_async_copy(g_hbm.at[si.at[k]], bufs[p], gsems[p]).wait()

  def scatter(k, p):
    pltpu.sync_copy(bufs[p], acc.at[di.at[k]], add=True)

  for k in range(4):
    fetch_idx(k, k)

  @pl.when(s < NS - 1)
  def _():
    pltpu.sync_copy(zrow_hbm.at[pl.ds(s * RPT, RPT)],
                    acc.at[pl.ds(s * RPT, RPT)])

  @pl.when(s == NS - 1)
  def _():
    pltpu.sync_copy(zrow_hbm.at[pl.ds((NS - 1) * RPT, RPT_LAST)],
                    acc.at[pl.ds((NS - 1) * RPT, RPT_LAST)])

  plsc.subcore_barrier()
  wait_idx(0, 0)
  start_gather(0, 0)
  wait_idx(1, 1)
  start_gather(1, 1)

  def step(c, k, p):
    wait_gather(k, p)
    scatter(k, p)
    k2 = (k + 2) % 4
    wait_idx(c + 2, k2)
    start_gather(k2, p)

    @pl.when(c + 4 < NCHUNK)
    def _():
      fetch_idx(c + 4, k)

  @pl.loop(0, NCHUNK - 3, step=4)
  def _(j):
    for k in range(4):
      step(j + k, k, k % 2)

  wait_gather(0, 0)
  scatter(0, 0)
  wait_idx(NCHUNK - 1, 2)
  start_gather(2, 0)
  wait_gather(1, 1)
  scatter(1, 1)
  wait_gather(2, 0)
  scatter(2, 0)

  plsc.subcore_barrier()

  @pl.when(s < NS - 1)
  def _():
    pltpu.sync_copy(acc.at[pl.ds(s * RPT, RPT)],
                    out_hbm.at[c, pl.ds(s * RPT, RPT)])

  @pl.when(s == NS - 1)
  def _():
    pltpu.sync_copy(acc.at[pl.ds((NS - 1) * RPT, RPT_LAST)],
                    out_hbm.at[c, pl.ds((NS - 1) * RPT, RPT_LAST)])


_edge_kernel = functools.partial(
    pl.kernel,
    out_type=jax.ShapeDtypeStruct((NC, N_NODES, CH), jnp.float32),
    mesh=_MESH,
    scratch_types=[
        pltpu.VMEM((4, ECH), jnp.int32),
        pltpu.VMEM((4, ECH), jnp.int32),
        pltpu.VMEM((ECH, CH), jnp.float32),
        pltpu.VMEM((ECH, CH), jnp.float32),
        pltpu.VMEM_SHARED((N_ACC, CH), jnp.float32),
        pltpu.SemaphoreType.DMA,
        pltpu.SemaphoreType.DMA,
        pltpu.SemaphoreType.DMA,
        pltpu.SemaphoreType.DMA,
        pltpu.SemaphoreType.DMA,
        pltpu.SemaphoreType.DMA,
    ],
)(_edge_body)


BM = 2048

def _dinv_block(deg_ref):
  dl = deg_ref[...]
  return lax.rsqrt(dl[0] + dl[1] + 1.0)


def _lin_body(deg_ref, x_ref, w_ref, g_ref):
  dinv = _dinv_block(deg_ref)
  h = jnp.dot(x_ref[...], w_ref[...], preferred_element_type=jnp.float32)
  g_ref[...] = h * dinv[:, None]


def _lin(deg2, x, W):
  return pl.pallas_call(
      _lin_body,
      grid=(N_ACC // BM,),
      in_specs=[
          pl.BlockSpec((NC, BM), lambda i: (0, i)),
          pl.BlockSpec((BM, CH), lambda i: (i, 0)),
          pl.BlockSpec((CH, CH), lambda i: (0, 0)),
      ],
      out_specs=pl.BlockSpec((BM, CH), lambda i: (i, 0)),
      out_shape=jax.ShapeDtypeStruct((N_NODES, CH), jnp.float32),
  )(deg2, x, W)


def _fin_body(deg_ref, p_ref, g_ref, b_ref, o_ref):
  dinv = _dinv_block(deg_ref)
  t = (p_ref[0] + p_ref[1] + g_ref[...]) * dinv[:, None] + b_ref[...]
  o_ref[...] = jnp.maximum(t, 0.0)


def _fin(deg2, P, g, b2):
  return pl.pallas_call(
      _fin_body,
      grid=(N_ACC // BM,),
      in_specs=[
          pl.BlockSpec((NC, BM), lambda i: (0, i)),
          pl.BlockSpec((NC, BM, CH), lambda i: (0, i, 0)),
          pl.BlockSpec((BM, CH), lambda i: (i, 0)),
          pl.BlockSpec((1, CH), lambda i: (0, 0)),
      ],
      out_specs=pl.BlockSpec((BM, CH), lambda i: (i, 0)),
      out_shape=jax.ShapeDtypeStruct((N_NODES, CH), jnp.float32),
  )(deg2, P, g, b2)


@jax.jit
def kernel(x, edge_index, W, b):
  npad = E_PAD - N_EDGES
  pads = jnp.stack([jnp.arange(npad, dtype=jnp.int32) % N_NODES,
                    N_NODES + (jnp.arange(npad, dtype=jnp.int32) % N_TRASH)])
  edges_p = jnp.concatenate([edge_index.astype(jnp.int32), pads], axis=1)
  ones_c = jnp.ones((ECH,), jnp.float32)
  zeros_n = jnp.zeros((N_ACC,), jnp.float32)
  zrow = jnp.zeros((N_NODES, CH), jnp.float32)

  deg2 = _deg_kernel(edges_p, ones_c, zeros_n)
  g = _lin(deg2, x, W)
  P = _edge_kernel(g, edges_p, zrow)
  return _fin(deg2, P, g, b.reshape(1, CH))

# --- scband reference (transcript-rebuilt; emitter-appended) ---
"""Pipeline reference for scband-basic-message-passing-21380347199505 (READ-ONLY COPY).

The authoritative reference and input builder live on the scoring server;
editing this copy changes nothing except your own understanding.
"""

import jax, jax.numpy as jnp
import numpy as np

N_NODES = 10000
N_EDGES = 320000
IN_CH = 128
OUT_CH = 128


def setup_inputs(seed: int = 0) -> dict:
    key = jax.random.key(seed)
    k1, k2, k3, k4 = jax.random.split(key, 4)
    x = jax.random.normal(k1, (N_NODES, IN_CH), dtype=jnp.float32)
    edge_index = jax.random.randint(k2, (2, N_EDGES), 0, N_NODES, dtype=jnp.int64)
    # GCNConv linear weight (glorot) and bias (zeros by default in PyG)
    limit = float(np.sqrt(6.0 / (IN_CH + OUT_CH)))
    W = jax.random.uniform(k3, (IN_CH, OUT_CH), minval=-limit, maxval=limit, dtype=jnp.float32)
    b = jnp.zeros((OUT_CH,), dtype=jnp.float32)
    return {"x": x, "edge_index": edge_index, "W": W, "b": b}


def reference(x, edge_index, W, b):
    # Faithful GCNConv (PyG defaults: add_self_loops=True, normalize=True) + ReLU
    N = x.shape[0]
    src = edge_index[0]
    dst = edge_index[1]
    loop = jnp.arange(N, dtype=edge_index.dtype)
    src = jnp.concatenate([src, loop])
    dst = jnp.concatenate([dst, loop])
    # degree computed on destination (col) with unit edge weights
    deg = jnp.zeros((N,), dtype=x.dtype).at[dst].add(1.0)
    deg_inv_sqrt = jnp.where(deg > 0, 1.0 / jnp.sqrt(deg), 0.0)
    norm = deg_inv_sqrt[src] * deg_inv_sqrt[dst]
    # linear transform first (PyG applies lin before propagate)
    h = x @ W
    msgs = h[src] * norm[:, None]
    out = jax.ops.segment_sum(msgs, dst, num_segments=N)
    out = out + b
    return jax.nn.relu(out)

if __name__ == "__main__":
    import jax
    _d = setup_inputs()
    print(jax.jit(kernel)(*tuple(_d.values())))

</pallas_src>

<mosaic_0001>
#map = affine_map<(d0, d1) -> (0, 0)>
#map1 = affine_map<(d0, d1) -> (0, 0, 0)>
module attributes {stable_mosaic.version = 14 : i64} {
  func.func @_edge_body(%arg0: i32, %arg1: i32, %arg2: memref<10000x128xf32, #tpu.memory_space<hbm>>, %arg3: memref<2x323584xi32, #tpu.memory_space<hbm>>, %arg4: memref<10000x128xf32, #tpu.memory_space<hbm>>, %arg5: memref<2x10000x128xf32, #tpu.memory_space<hbm>>, %arg6: memref<4x128xi32, #tpu.memory_space<vmem>>, %arg7: memref<4x128xi32, #tpu.memory_space<vmem>>, %arg8: memref<128x128xf32, #tpu.memory_space<vmem>>, %arg9: memref<128x128xf32, #tpu.memory_space<vmem>>, %arg10: memref<10240x128xf32, #tpu.memory_space<vmem_shared>>, %arg11: memref<!tpu.dma_semaphore, #tpu.memory_space<semaphore_mem>>, %arg12: memref<!tpu.dma_semaphore, #tpu.memory_space<semaphore_mem>>, %arg13: memref<!tpu.dma_semaphore, #tpu.memory_space<semaphore_mem>>, %arg14: memref<!tpu.dma_semaphore, #tpu.memory_space<semaphore_mem>>, %arg15: memref<!tpu.dma_semaphore, #tpu.memory_space<semaphore_mem>>, %arg16: memref<!tpu.dma_semaphore, #tpu.memory_space<semaphore_mem>>) attributes {dimension_semantics = [#tpu.dimension_semantics<core_parallel>, #tpu.dimension_semantics<subcore_parallel>], iteration_bounds = array<i64: 2, 16>, scalar_prefetch = 0 : i64, scratch_operands = 11 : i64, tpu.core_type = #tpu.core_type<sc_vector_subcore>, window_params = [{transform_indices = #map}, {transform_indices = #map}, {transform_indices = #map}, {transform_indices = #map1}]} {
    %mul3A = arith.constant 2 : i32
    %mul3A_0 = arith.muli %arg1, %mul3A : i32
    %add3A = arith.addi %mul3A_0, %arg0 : i32
    %mul3A_1 = arith.constant 10112 : i32
    %mul3A_2 = arith.muli %add3A, %mul3A_1 : i32
    %add3A_3 = arith.constant 0 : i32
    %add3A_4 = arith.addi %mul3A_2, %add3A_3 : i32
    %dma_start3A = arith.constant 0 : i32
    %dma_start3A_5 = arith.constant 0 : i32
    %dma_start3A_6 = tpu.memref_slice %arg6[%dma_start3A, %dma_start3A_5] : memref<4x128xi32, #tpu.memory_space<vmem>> -> memref<1x128xi32, #tpu.memory_space<vmem>>
    %dma_start3A_7 = arith.constant 0 : i32
    %dma_start3A_8 = tpu.memref_slice %arg3[%dma_start3A_7, %add3A_4] : memref<2x323584xi32, #tpu.memory_space<hbm>> -> memref<1x128xi32, #tpu.memory_space<hbm>>
    %dma_start3A_9 = arith.constant 0 : i32
    %dma_start3A_10 = arith.constant 0 : i32
    %dma_start3A_11 = tpu.memref_slice %arg6[%dma_start3A_9, %dma_start3A_10] : memref<4x128xi32, #tpu.memory_space<vmem>> -> memref<1x128xi32, #tpu.memory_space<vmem>>
    %dma_start3A_12 = arith.constant 0 : i32
    %dma_start3A_13 = tpu.memref_slice %arg3[%dma_start3A_12, %add3A_4] : memref<2x323584xi32, #tpu.memory_space<hbm>> -> memref<1x128xi32, #tpu.memory_space<hbm>>
    tpu.enqueue_dma source(%dma_start3A_13 : memref<1x128xi32, #tpu.memory_space<hbm>>) target(%dma_start3A_11 : memref<1x128xi32, #tpu.memory_space<vmem>>) target_semaphore(%arg11 : memref<!tpu.dma_semaphore, #tpu.memory_space<semaphore_mem>>)
    %add3A_14 = arith.constant 0 : i32
    %add3A_15 = arith.addi %mul3A_2, %add3A_14 : i32
    %dma_start3A_16 = arith.constant 0 : i32
    %dma_start3A_17 = arith.constant 0 : i32
    %dma_start3A_18 = tpu.memref_slice %arg7[%dma_start3A_16, %dma_start3A_17] : memref<4x128xi32, #tpu.memory_space<vmem>> -> memref<1x128xi32, #tpu.memory_space<vmem>>
    %dma_start3A_19 = arith.constant 1 : i32
    %dma_start3A_20 = tpu.memref_slice %arg3[%dma_start3A_19, %add3A_15] : memref<2x323584xi32, #tpu.memory_space<hbm>> -> memref<1x128xi32, #tpu.memory_space<hbm>>
    %dma_start3A_21 = arith.constant 0 : i32
    %dma_start3A_22 = arith.constant 0 : i32
    %dma_start3A_23 = tpu.memref_slice %arg7[%dma_start3A_21, %dma_start3A_22] : memref<4x128xi32, #tpu.memory_space<vmem>> -> memref<1x128xi32, #tpu.memory_space<vmem>>
    %dma_start3A_24 = arith.constant 1 : i32
    %dma_start3A_25 = tpu.memref_slice %arg3[%dma_start3A_24, %add3A_15] : memref<2x323584xi32, #tpu.memory_space<hbm>> -> memref<1x128xi32, #tpu.memory_space<hbm>>
    tpu.enqueue_dma source(%dma_start3A_25 : memref<1x128xi32, #tpu.memory_space<hbm>>) target(%dma_start3A_23 : memref<1x128xi32, #tpu.memory_space<vmem>>) target_semaphore(%arg11 : memref<!tpu.dma_semaphore, #tpu.memory_space<semaphore_mem>>)
    %add3A_26 = arith.constant 128 : i32
    %add3A_27 = arith.addi %mul3A_2, %add3A_26 : i32
    %dma_start3A_28 = arith.constant 1 : i32
    %dma_start3A_29 = arith.constant 0 : i32
    %dma_start3A_30 = tpu.memref_slice %arg6[%dma_start3A_28, %dma_start3A_29] : memref<4x128xi32, #tpu.memory_space<vmem>> -> memref<1x128xi32, #tpu.memory_space<vmem>>
    %dma_start3A_31 = arith.constant 0 : i32
    %dma_start3A_32 = tpu.memref_slice %arg3[%dma_start3A_31, %add3A_27] : memref<2x323584xi32, #tpu.memory_space<hbm>> -> memref<1x128xi32, #tpu.memory_space<hbm>>
    %dma_start3A_33 = arith.constant 1 : i32
    %dma_start3A_34 = arith.constant 0 : i32
    %dma_start3A_35 = tpu.memref_slice %arg6[%dma_start3A_33, %dma_start3A_34] : memref<4x128xi32, #tpu.memory_space<vmem>> -> memref<1x128xi32, #tpu.memory_space<vmem>>
    %dma_start3A_36 = arith.constant 0 : i32
    %dma_start3A_37 = tpu.memref_slice %arg3[%dma_start3A_36, %add3A_27] : memref<2x323584xi32, #tpu.memory_space<hbm>> -> memref<1x128xi32, #tpu.memory_space<hbm>>
    tpu.enqueue_dma source(%dma_start3A_37 : memref<1x128xi32, #tpu.memory_space<hbm>>) target(%dma_start3A_35 : memref<1x128xi32, #tpu.memory_space<vmem>>) target_semaphore(%arg12 : memref<!tpu.dma_semaphore, #tpu.memory_space<semaphore_mem>>)
    %add3A_38 = arith.constant 128 : i32
    %add3A_39 = arith.addi %mul3A_2, %add3A_38 : i32
    %dma_start3A_40 = arith.constant 1 : i32
    %dma_start3A_41 = arith.constant 0 : i32
    %dma_start3A_42 = tpu.memref_slice %arg7[%dma_start3A_40, %dma_start3A_41] : memref<4x128xi32, #tpu.memory_space<vmem>> -> memref<1x128xi32, #tpu.memory_space<vmem>>
    %dma_start3A_43 = arith.constant 1 : i32
    %dma_start3A_44 = tpu.memref_slice %arg3[%dma_start3A_43, %add3A_39] : memref<2x323584xi32, #tpu.memory_space<hbm>> -> memref<1x128xi32, #tpu.memory_space<hbm>>
    %dma_start3A_45 = arith.constant 1 : i32
    %dma_start3A_46 = arith.constant 0 : i32
    %dma_start3A_47 = tpu.memref_slice %arg7[%dma_start3A_45, %dma_start3A_46] : memref<4x128xi32, #tpu.memory_space<vmem>> -> memref<1x128xi32, #tpu.memory_space<vmem>>
    %dma_start3A_48 = arith.constant 1 : i32
    %dma_start3A_49 = tpu.memref_slice %arg3[%dma_start3A_48, %add3A_39] : memref<2x323584xi32, #tpu.memory_space<hbm>> -> memref<1x128xi32, #tpu.memory_space<hbm>>
    tpu.enqueue_dma source(%dma_start3A_49 : memref<1x128xi32, #tpu.memory_space<hbm>>) target(%dma_start3A_47 : memref<1x128xi32, #tpu.memory_space<vmem>>) target_semaphore(%arg12 : memref<!tpu.dma_semaphore, #tpu.memory_space<semaphore_mem>>)
    %add3A_50 = arith.constant 256 : i32
    %add3A_51 = arith.addi %mul3A_2, %add3A_50 : i32
    %dma_start3A_52 = arith.constant 2 : i32
    %dma_start3A_53 = arith.constant 0 : i32
    %dma_start3A_54 = tpu.memref_slice %arg6[%dma_start3A_52, %dma_start3A_53] : memref<4x128xi32, #tpu.memory_space<vmem>> -> memref<1x128xi32, #tpu.memory_space<vmem>>
    %dma_start3A_55 = arith.constant 0 : i32
    %dma_start3A_56 = tpu.memref_slice %arg3[%dma_start3A_55, %add3A_51] : memref<2x323584xi32, #tpu.memory_space<hbm>> -> memref<1x128xi32, #tpu.memory_space<hbm>>
    %dma_start3A_57 = arith.constant 2 : i32
    %dma_start3A_58 = arith.constant 0 : i32
    %dma_start3A_59 = tpu.memref_slice %arg6[%dma_start3A_57, %dma_start3A_58] : memref<4x128xi32, #tpu.memory_space<vmem>> -> memref<1x128xi32, #tpu.memory_space<vmem>>
    %dma_start3A_60 = arith.constant 0 : i32
    %dma_start3A_61 = tpu.memref_slice %arg3[%dma_start3A_60, %add3A_51] : memref<2x323584xi32, #tpu.memory_space<hbm>> -> memref<1x128xi32, #tpu.memory_space<hbm>>
    tpu.enqueue_dma source(%dma_start3A_61 : memref<1x128xi32, #tpu.memory_space<hbm>>) target(%dma_start3A_59 : memref<1x128xi32, #tpu.memory_space<vmem>>) target_semaphore(%arg13 : memref<!tpu.dma_semaphore, #tpu.memory_space<semaphore_mem>>)
    %add3A_62 = arith.constant 256 : i32
    %add3A_63 = arith.addi %mul3A_2, %add3A_62 : i32
    %dma_start3A_64 = arith.constant 2 : i32
    %dma_start3A_65 = arith.constant 0 : i32
    %dma_start3A_66 = tpu.memref_slice %arg7[%dma_start3A_64, %dma_start3A_65] : memref<4x128xi32, #tpu.memory_space<vmem>> -> memref<1x128xi32, #tpu.memory_space<vmem>>
    %dma_start3A_67 = arith.constant 1 : i32
    %dma_start3A_68 = tpu.memref_slice %arg3[%dma_start3A_67, %add3A_63] : memref<2x323584xi32, #tpu.memory_space<hbm>> -> memref<1x128xi32, #tpu.memory_space<hbm>>
    %dma_start3A_69 = arith.constant 2 : i32
    %dma_start3A_70 = arith.constant 0 : i32
    %dma_start3A_71 = tpu.memref_slice %arg7[%dma_start3A_69, %dma_start3A_70] : memref<4x128xi32, #tpu.memory_space<vmem>> -> memref<1x128xi32, #tpu.memory_space<vmem>>
    %dma_start3A_72 = arith.constant 1 : i32
    %dma_start3A_73 = tpu.memref_slice %arg3[%dma_start3A_72, %add3A_63] : memref<2x323584xi32, #tpu.memory_space<hbm>> -> memref<1x128xi32, #tpu.memory_space<hbm>>
    tpu.enqueue_dma source(%dma_start3A_73 : memref<1x128xi32, #tpu.memory_space<hbm>>) target(%dma_start3A_71 : memref<1x128xi32, #tpu.memory_space<vmem>>) target_semaphore(%arg13 : memref<!tpu.dma_semaphore, #tpu.memory_space<semaphore_mem>>)
    %add3A_74 = arith.constant 384 : i32
    %add3A_75 = arith.addi %mul3A_2, %add3A_74 : i32
    %dma_start3A_76 = arith.constant 3 : i32
    %dma_start3A_77 = arith.constant 0 : i32
    %dma_start3A_78 = tpu.memref_slice %arg6[%dma_start3A_76, %dma_start3A_77] : memref<4x128xi32, #tpu.memory_space<vmem>> -> memref<1x128xi32, #tpu.memory_space<vmem>>
    %dma_start3A_79 = arith.constant 0 : i32
    %dma_start3A_80 = tpu.memref_slice %arg3[%dma_start3A_79, %add3A_75] : memref<2x323584xi32, #tpu.memory_space<hbm>> -> memref<1x128xi32, #tpu.memory_space<hbm>>
    %dma_start3A_81 = arith.constant 3 : i32
    %dma_start3A_82 = arith.constant 0 : i32
    %dma_start3A_83 = tpu.memref_slice %arg6[%dma_start3A_81, %dma_start3A_82] : memref<4x128xi32, #tpu.memory_space<vmem>> -> memref<1x128xi32, #tpu.memory_space<vmem>>
    %dma_start3A_84 = arith.constant 0 : i32
    %dma_start3A_85 = tpu.memref_slice %arg3[%dma_start3A_84, %add3A_75] : memref<2x323584xi32, #tpu.memory_space<hbm>> -> memref<1x128xi32, #tpu.memory_space<hbm>>
    tpu.enqueue_dma source(%dma_start3A_85 : memref<1x128xi32, #tpu.memory_space<hbm>>) target(%dma_start3A_83 : memref<1x128xi32, #tpu.memory_space<vmem>>) target_semaphore(%arg14 : memref<!tpu.dma_semaphore, #tpu.memory_space<semaphore_mem>>)
    %add3A_86 = arith.constant 384 : i32
    %add3A_87 = arith.addi %mul3A_2, %add3A_86 : i32
    %dma_start3A_88 = arith.constant 3 : i32
    %dma_start3A_89 = arith.constant 0 : i32
    %dma_start3A_90 = tpu.memref_slice %arg7[%dma_start3A_88, %dma_start3A_89] : memref<4x128xi32, #tpu.memory_space<vmem>> -> memref<1x128xi32, #tpu.memory_space<vmem>>
    %dma_start3A_91 = arith.constant 1 : i32
    %dma_start3A_92 = tpu.memref_slice %arg3[%dma_start3A_91, %add3A_87] : memref<2x323584xi32, #tpu.memory_space<hbm>> -> memref<1x128xi32, #tpu.memory_space<hbm>>
    %dma_start3A_93 = arith.constant 3 : i32
    %dma_start3A_94 = arith.constant 0 : i32
    %dma_start3A_95 = tpu.memref_slice %arg7[%dma_start3A_93, %dma_start3A_94] : memref<4x128xi32, #tpu.memory_space<vmem>> -> memref<1x128xi32, #tpu.memory_space<vmem>>
    %dma_start3A_96 = arith.constant 1 : i32
    %dma_start3A_97 = tpu.memref_slice %arg3[%dma_start3A_96, %add3A_87] : memref<2x323584xi32, #tpu.memory_space<hbm>> -> memref<1x128xi32, #tpu.memory_space<hbm>>
    tpu.enqueue_dma source(%dma_start3A_97 : memref<1x128xi32, #tpu.memory_space<hbm>>) target(%dma_start3A_95 : memref<1x128xi32, #tpu.memory_space<vmem>>) target_semaphore(%arg14 : memref<!tpu.dma_semaphore, #tpu.memory_space<semaphore_mem>>)
    %lt3A = arith.constant 15 : i32
    %lt3A_98 = arith.cmpi slt, %arg1, %lt3A : i32
    %convert_element_type3A = arith.extui %lt3A_98 : i1 to i32
    %cond3A = arith.constant 0 : i32
    %cond3A_99 = arith.cmpi ne, %convert_element_type3A, %cond3A : i32
    scf.if %cond3A_99 {
      %mul3A_234 = arith.constant 624 : i32
      %mul3A_235 = arith.muli %arg1, %mul3A_234 : i32
      %mul3A_236 = arith.constant 624 : i32
      %mul3A_237 = arith.muli %arg1, %mul3A_236 : i32
      "tpu.region"() ({
        %run_scoped3A_238 = tpu.sem_alloc : memref<!tpu.dma_semaphore, #tpu.memory_space<semaphore_mem>>
        %dma_start3A_239 = arith.constant 0 : i32
        %dma_start3A_240 = tpu.memref_slice %arg10[%mul3A_237, %dma_start3A_239] : memref<10240x128xf32, #tpu.memory_space<vmem_shared>> -> memref<624x128xf32, #tpu.memory_space<vmem_shared>>
        %dma_start3A_241 = arith.constant 0 : i32
        %dma_start3A_242 = tpu.memref_slice %arg4[%mul3A_235, %dma_start3A_241] : memref<10000x128xf32, #tpu.memory_space<hbm>> -> memref<624x128xf32, #tpu.memory_space<hbm>>
        tpu.enqueue_dma source(%dma_start3A_242 : memref<624x128xf32, #tpu.memory_space<hbm>>) target(%dma_start3A_240 : memref<624x128xf32, #tpu.memory_space<vmem_shared>>) target_semaphore(%run_scoped3A_238 : memref<!tpu.dma_semaphore, #tpu.memory_space<semaphore_mem>>)
        %dma_wait3A_243 = arith.constant 0 : i32
        %dma_wait3A_244 = tpu.memref_slice %arg10[%mul3A_237, %dma_wait3A_243] : memref<10240x128xf32, #tpu.memory_space<vmem_shared>> -> memref<624x128xf32, #tpu.memory_space<vmem_shared>>
        %dma_wait3A_245 = arith.constant 0 : i32
        %dma_wait3A_246 = tpu.memref_slice %arg4[%mul3A_235, %dma_wait3A_245] : memref<10000x128xf32, #tpu.memory_space<hbm>> -> memref<624x128xf32, #tpu.memory_space<hbm>>
        tpu.wait_dma2 semaphore(%run_scoped3A_238 : memref<!tpu.dma_semaphore, #tpu.memory_space<semaphore_mem>>) src(%dma_wait3A_246 : memref<624x128xf32, #tpu.memory_space<hbm>>) dst(%dma_wait3A_244 : memref<624x128xf32, #tpu.memory_space<vmem_shared>>)
        tpu.yield
      }) : () -> ()
    } else {
    }
    %eq3A = arith.constant 15 : i32
    %eq3A_100 = arith.cmpi eq, %arg1, %eq3A : i32
    %convert_element_type3A_101 = arith.extui %eq3A_100 : i1 to i32
    %cond3A_102 = arith.constant 0 : i32
    %cond3A_103 = arith.cmpi ne, %convert_element_type3A_101, %cond3A_102 : i32
    scf.if %cond3A_103 {
      "tpu.region"() ({
        %run_scoped3A_234 = tpu.sem_alloc : memref<!tpu.dma_semaphore, #tpu.memory_space<semaphore_mem>>
        %dma_start3A_235 = arith.constant 9360 : i32
        %dma_start3A_236 = arith.constant 0 : i32
        %dma_start3A_237 = tpu.memref_slice %arg10[%dma_start3A_235, %dma_start3A_236] : memref<10240x128xf32, #tpu.memory_space<vmem_shared>> -> memref<640x128xf32, #tpu.memory_space<vmem_shared>>
        %dma_start3A_238 = arith.constant 9360 : i32
        %dma_start3A_239 = arith.constant 0 : i32
        %dma_start3A_240 = tpu.memref_slice %arg4[%dma_start3A_238, %dma_start3A_239] : memref<10000x128xf32, #tpu.memory_space<hbm>> -> memref<640x128xf32, #tpu.memory_space<hbm>>
        tpu.enqueue_dma source(%dma_start3A_240 : memref<640x128xf32, #tpu.memory_space<hbm>>) target(%dma_start3A_237 : memref<640x128xf32, #tpu.memory_space<vmem_shared>>) target_semaphore(%run_scoped3A_234 : memref<!tpu.dma_semaphore, #tpu.memory_space<semaphore_mem>>)
        %dma_wait3A_241 = arith.constant 9360 : i32
        %dma_wait3A_242 = arith.constant 0 : i32
        %dma_wait3A_243 = tpu.memref_slice %arg10[%dma_wait3A_241, %dma_wait3A_242] : memref<10240x128xf32, #tpu.memory_space<vmem_shared>> -> memref<640x128xf32, #tpu.memory_space<vmem_shared>>
        %dma_wait3A_244 = arith.constant 9360 : i32
        %dma_wait3A_245 = arith.constant 0 : i32
        %dma_wait3A_246 = tpu.memref_slice %arg4[%dma_wait3A_244, %dma_wait3A_245] : memref<10000x128xf32, #tpu.memory_space<hbm>> -> memref<640x128xf32, #tpu.memory_space<hbm>>
        tpu.wait_dma2 semaphore(%run_scoped3A_234 : memref<!tpu.dma_semaphore, #tpu.memory_space<semaphore_mem>>) src(%dma_wait3A_246 : memref<640x128xf32, #tpu.memory_space<hbm>>) dst(%dma_wait3A_243 : memref<640x128xf32, #tpu.memory_space<vmem_shared>>)
        tpu.yield
      }) : () -> ()
    } else {
    }
    %barrier3A = arith.constant 0 : index
    tpu.barrier barrier_id(%barrier3A)
    %add3A_104 = arith.constant 0 : i32
    %add3A_105 = arith.addi %mul3A_2, %add3A_104 : i32
    %dma_wait3A = arith.constant 0 : i32
    %dma_wait3A_106 = arith.constant 0 : i32
    %dma_wait3A_107 = tpu.memref_slice %arg6[%dma_wait3A, %dma_wait3A_106] : memref<4x128xi32, #tpu.memory_space<vmem>> -> memref<1x128xi32, #tpu.memory_space<vmem>>
    %dma_wait3A_108 = arith.constant 0 : i32
    %dma_wait3A_109 = tpu.memref_slice %arg3[%dma_wait3A_108, %add3A_105] : memref<2x323584xi32, #tpu.memory_space<hbm>> -> memref<1x128xi32, #tpu.memory_space<hbm>>
    %dma_wait3A_110 = arith.constant 0 : i32
    %dma_wait3A_111 = arith.constant 0 : i32
    %dma_wait3A_112 = tpu.memref_slice %arg6[%dma_wait3A_110, %dma_wait3A_111] : memref<4x128xi32, #tpu.memory_space<vmem>> -> memref<1x128xi32, #tpu.memory_space<vmem>>
    %dma_wait3A_113 = arith.constant 0 : i32
    %dma_wait3A_114 = tpu.memref_slice %arg3[%dma_wait3A_113, %add3A_105] : memref<2x323584xi32, #tpu.memory_space<hbm>> -> memref<1x128xi32, #tpu.memory_space<hbm>>
    tpu.wait_dma2 semaphore(%arg11 : memref<!tpu.dma_semaphore, #tpu.memory_space<semaphore_mem>>) src(%dma_wait3A_114 : memref<1x128xi32, #tpu.memory_space<hbm>>) dst(%dma_wait3A_112 : memref<1x128xi32, #tpu.memory_space<vmem>>)
    %add3A_115 = arith.constant 0 : i32
    %add3A_116 = arith.addi %mul3A_2, %add3A_115 : i32
    %dma_wait3A_117 = arith.constant 0 : i32
    %dma_wait3A_118 = arith.constant 0 : i32
    %dma_wait3A_119 = tpu.memref_slice %arg7[%dma_wait3A_117, %dma_wait3A_118] : memref<4x128xi32, #tpu.memory_space<vmem>> -> memref<1x128xi32, #tpu.memory_space<vmem>>
    %dma_wait3A_120 = arith.constant 1 : i32
    %dma_wait3A_121 = tpu.memref_slice %arg3[%dma_wait3A_120, %add3A_116] : memref<2x323584xi32, #tpu.memory_space<hbm>> -> memref<1x128xi32, #tpu.memory_space<hbm>>
    %dma_wait3A_122 = arith.constant 0 : i32
    %dma_wait3A_123 = arith.constant 0 : i32
    %dma_wait3A_124 = tpu.memref_slice %arg7[%dma_wait3A_122, %dma_wait3A_123] : memref<4x128xi32, #tpu.memory_space<vmem>> -> memref<1x128xi32, #tpu.memory_space<vmem>>
    %dma_wait3A_125 = arith.constant 1 : i32
    %dma_wait3A_126 = tpu.memref_slice %arg3[%dma_wait3A_125, %add3A_116] : memref<2x323584xi32, #tpu.memory_space<hbm>> -> memref<1x128xi32, #tpu.memory_space<hbm>>
    tpu.wait_dma2 semaphore(%arg11 : memref<!tpu.dma_semaphore, #tpu.memory_space<semaphore_mem>>) src(%dma_wait3A_126 : memref<1x128xi32, #tpu.memory_space<hbm>>) dst(%dma_wait3A_124 : memref<1x128xi32, #tpu.memory_space<vmem>>)
    %dma_start3A_127 = arith.constant 0 : i32
    %dma_start3A_128 = arith.constant 0 : i32
    %dma_start3A_129 = tpu.memref_slice %arg6[%dma_start3A_127, %dma_start3A_128] : memref<4x128xi32, #tpu.memory_space<vmem>> -> memref<1x128xi32, #tpu.memory_space<vmem>>
    %dma_start3A_130 = tpu.memref_squeeze %dma_start3A_129 : memref<1x128xi32, #tpu.memory_space<vmem>> -> memref<128xi32, #tpu.memory_space<vmem>>
    %dma_start3A_131 = arith.constant 0 : i32
    %dma_start3A_132 = arith.constant 0 : i32
    %dma_start3A_133 = tpu.memref_slice %arg2[%dma_start3A_131, %dma_start3A_132] : memref<10000x128xf32, #tpu.memory_space<hbm>> -> memref<10000x128xf32, #tpu.memory_space<hbm>>
    tpu.enqueue_indirect_dma source(%dma_start3A_133 : memref<10000x128xf32, #tpu.memory_space<hbm>>) target(%arg8 : memref<128x128xf32, #tpu.memory_space<vmem>>) offsets(%dma_start3A_130 : memref<128xi32, #tpu.memory_space<vmem>>) semaphore(%arg15 : memref<!tpu.dma_semaphore, #tpu.memory_space<semaphore_mem>>)
    %add3A_134 = arith.constant 128 : i32
    %add3A_135 = arith.addi %mul3A_2, %add3A_134 : i32
    %dma_wait3A_136 = arith.constant 1 : i32
    %dma_wait3A_137 = arith.constant 0 : i32
    %dma_wait3A_138 = tpu.memref_slice %arg6[%dma_wait3A_136, %dma_wait3A_137] : memref<4x128xi32, #tpu.memory_space<vmem>> -> memref<1x128xi32, #tpu.memory_space<vmem>>
    %dma_wait3A_139 = arith.constant 0 : i32
    %dma_wait3A_140 = tpu.memref_slice %arg3[%dma_wait3A_139, %add3A_135] : memref<2x323584xi32, #tpu.memory_space<hbm>> -> memref<1x128xi32, #tpu.memory_space<hbm>>
    %dma_wait3A_141 = arith.constant 1 : i32
    %dma_wait3A_142 = arith.constant 0 : i32
    %dma_wait3A_143 = tpu.memref_slice %arg6[%dma_wait3A_141, %dma_wait3A_142] : memref<4x128xi32, #tpu.memory_space<vmem>> -> memref<1x128xi32, #tpu.memory_space<vmem>>
    %dma_wait3A_144 = arith.constant 0 : i32
    %dma_wait3A_145 = tpu.memref_slice %arg3[%dma_wait3A_144, %add3A_135] : memref<2x323584xi32, #tpu.memory_space<hbm>> -> memref<1x128xi32, #tpu.memory_space<hbm>>
    tpu.wait_dma2 semaphore(%arg12 : memref<!tpu.dma_semaphore, #tpu.memory_space<semaphore_mem>>) src(%dma_wait3A_145 : memref<1x128xi32, #tpu.memory_space<hbm>>) dst(%dma_wait3A_143 : memref<1x128xi32, #tpu.memory_space<vmem>>)
    %add3A_146 = arith.constant 128 : i32
    %add3A_147 = arith.addi %mul3A_2, %add3A_146 : i32
    %dma_wait3A_148 = arith.constant 1 : i32
    %dma_wait3A_149 = arith.constant 0 : i32
    %dma_wait3A_150 = tpu.memref_slice %arg7[%dma_wait3A_148, %dma_wait3A_149] : memref<4x128xi32, #tpu.memory_space<vmem>> -> memref<1x128xi32, #tpu.memory_space<vmem>>
    %dma_wait3A_151 = arith.constant 1 : i32
    %dma_wait3A_152 = tpu.memref_slice %arg3[%dma_wait3A_151, %add3A_147] : memref<2x323584xi32, #tpu.memory_space<hbm>> -> memref<1x128xi32, #tpu.memory_space<hbm>>
    %dma_wait3A_153 = arith.constant 1 : i32
    %dma_wait3A_154 = arith.constant 0 : i32
    %dma_wait3A_155 = tpu.memref_slice %arg7[%dma_wait3A_153, %dma_wait3A_154] : memref<4x128xi32, #tpu.memory_space<vmem>> -> memref<1x128xi32, #tpu.memory_space<vmem>>
    %dma_wait3A_156 = arith.constant 1 : i32
    %dma_wait3A_157 = tpu.memref_slice %arg3[%dma_wait3A_156, %add3A_147] : memref<2x323584xi32, #tpu.memory_space<hbm>> -> memref<1x128xi32, #tpu.memory_space<hbm>>
    tpu.wait_dma2 semaphore(%arg12 : memref<!tpu.dma_semaphore, #tpu.memory_space<semaphore_mem>>) src(%dma_wait3A_157 : memref<1x128xi32, #tpu.memory_space<hbm>>) dst(%dma_wait3A_155 : memref<1x128xi32, #tpu.memory_space<vmem>>)
    %dma_start3A_158 = arith.constant 1 : i32
    %dma_start3A_159 = arith.constant 0 : i32
    %dma_start3A_160 = tpu.memref_slice %arg6[%dma_start3A_158, %dma_start3A_159] : memref<4x128xi32, #tpu.memory_space<vmem>> -> memref<1x128xi32, #tpu.memory_space<vmem>>
    %dma_start3A_161 = tpu.memref_squeeze %dma_start3A_160 : memref<1x128xi32, #tpu.memory_space<vmem>> -> memref<128xi32, #tpu.memory_space<vmem>>
    %dma_start3A_162 = arith.constant 0 : i32
    %dma_start3A_163 = arith.constant 0 : i32
    %dma_start3A_164 = tpu.memref_slice %arg2[%dma_start3A_162, %dma_start3A_163] : memref<10000x128xf32, #tpu.memory_space<hbm>> -> memref<10000x128xf32, #tpu.memory_space<hbm>>
    tpu.enqueue_indirect_dma source(%dma_start3A_164 : memref<10000x128xf32, #tpu.memory_space<hbm>>) target(%arg9 : memref<128x128xf32, #tpu.memory_space<vmem>>) offsets(%dma_start3A_161 : memref<128xi32, #tpu.memory_space<vmem>>) semaphore(%arg16 : memref<!tpu.dma_semaphore, #tpu.memory_space<semaphore_mem>>)
    %scan3A = arith.constant 0 : i32
    %scan3A_165 = arith.constant 19 : i32
    %scan3A_166 = arith.addi %scan3A, %scan3A_165 : i32
    %scan3A_167 = arith.constant 1 : i32
    scf.for %scan3A_234 = %scan3A to %scan3A_166 step %scan3A_167  : i32 {
      %mul3A_235 = arith.constant 4 : i32
      %mul3A_236 = arith.muli %scan3A_234, %mul3A_235 : i32
      %add3A_237 = arith.constant 0 : i32
      %add3A_238 = arith.addi %add3A_237, %mul3A_236 : i32
      %add3A_239 = arith.constant 0 : i32
      %add3A_240 = arith.addi %add3A_238, %add3A_239 : i32
      %dma_wait3A_241 = arith.constant 0 : i32
      %dma_wait3A_242 = arith.constant 0 : i32
      %dma_wait3A_243 = tpu.memref_slice %arg6[%dma_wait3A_241, %dma_wait3A_242] : memref<4x128xi32, #tpu.memory_space<vmem>> -> memref<1x128xi32, #tpu.memory_space<vmem>>
      %dma_wait3A_244 = tpu.memref_squeeze %dma_wait3A_243 : memref<1x128xi32, #tpu.memory_space<vmem>> -> memref<128xi32, #tpu.memory_space<vmem>>
      %dma_wait3A_245 = arith.constant 0 : i32
      %dma_wait3A_246 = arith.constant 0 : i32
      %dma_wait3A_247 = tpu.memref_slice %arg2[%dma_wait3A_245, %dma_wait3A_246] : memref<10000x128xf32, #tpu.memory_space<hbm>> -> memref<10000x128xf32, #tpu.memory_space<hbm>>
      tpu.wait_indirect_dma semaphore(%arg15 : memref<!tpu.dma_semaphore, #tpu.memory_space<semaphore_mem>>) src(%dma_wait3A_247 : memref<10000x128xf32, #tpu.memory_space<hbm>>) dst(%arg8 : memref<128x128xf32, #tpu.memory_space<vmem>>)
      %run_scoped3A_248 = arith.constant 0 : i32
      "tpu.region"() ({
        %run_scoped3A_447 = tpu.sem_alloc : memref<!tpu.dma_semaphore, #tpu.memory_space<semaphore_mem>>
        %dma_start3A_448 = arith.constant 0 : i32
        %dma_start3A_449 = tpu.memref_slice %arg7[%run_scoped3A_248, %dma_start3A_448] : memref<4x128xi32, #tpu.memory_space<vmem>> -> memref<1x128xi32, #tpu.memory_space<vmem>>
        %dma_start3A_450 = tpu.memref_squeeze %dma_start3A_449 : memref<1x128xi32, #tpu.memory_space<vmem>> -> memref<128xi32, #tpu.memory_space<vmem>>
        %dma_start3A_451 = arith.constant 0 : i32
        %dma_start3A_452 = arith.constant 0 : i32
        %dma_start3A_453 = tpu.memref_slice %arg10[%dma_start3A_451, %dma_start3A_452] : memref<10240x128xf32, #tpu.memory_space<vmem_shared>> -> memref<10240x128xf32, #tpu.memory_space<vmem_shared>>
        tpu.enqueue_indirect_dma source(%arg8 : memref<128x128xf32, #tpu.memory_space<vmem>>) target(%dma_start3A_453 : memref<10240x128xf32, #tpu.memory_space<vmem_shared>>) offsets(%dma_start3A_450 : memref<128xi32, #tpu.memory_space<vmem>>) semaphore(%run_scoped3A_447 : memref<!tpu.dma_semaphore, #tpu.memory_space<semaphore_mem>>) {add = true}
        %dma_wait3A_454 = arith.constant 0 : i32
        %dma_wait3A_455 = tpu.memref_slice %arg7[%run_scoped3A_248, %dma_wait3A_454] : memref<4x128xi32, #tpu.memory_space<vmem>> -> memref<1x128xi32, #tpu.memory_space<vmem>>
        %dma_wait3A_456 = tpu.memref_squeeze %dma_wait3A_455 : memref<1x128xi32, #tpu.memory_space<vmem>> -> memref<128xi32, #tpu.memory_space<vmem>>
        %dma_wait3A_457 = arith.constant 0 : i32
        %dma_wait3A_458 = arith.constant 0 : i32
        %dma_wait3A_459 = tpu.memref_slice %arg10[%dma_wait3A_457, %dma_wait3A_458] : memref<10240x128xf32, #tpu.memory_space<vmem_shared>> -> memref<10240x128xf32, #tpu.memory_space<vmem_shared>>
        tpu.wait_indirect_dma semaphore(%run_scoped3A_447 : memref<!tpu.dma_semaphore, #tpu.memory_space<semaphore_mem>>) src(%arg8 : memref<128x128xf32, #tpu.memory_space<vmem>>) dst(%dma_wait3A_459 : memref<10240x128xf32, #tpu.memory_space<vmem_shared>>)
        tpu.yield
      }) : () -> ()
      %add3A_249 = arith.constant 2 : i32
      %add3A_250 = arith.addi %add3A_240, %add3A_249 : i32
      %mul3A_251 = arith.constant 128 : i32
      %mul3A_252 = arith.muli %add3A_250, %mul3A_251 : i32
      %add3A_253 = arith.addi %mul3A_2, %mul3A_252 : i32
      %dma_wait3A_254 = arith.constant 2 : i32
      %dma_wait3A_255 = arith.constant 0 : i32
      %dma_wait3A_256 = tpu.memref_slice %arg6[%dma_wait3A_254, %dma_wait3A_255] : memref<4x128xi32, #tpu.memory_space<vmem>> -> memref<1x128xi32, #tpu.memory_space<vmem>>
      %dma_wait3A_257 = arith.constant 0 : i32
      %dma_wait3A_258 = tpu.memref_slice %arg3[%dma_wait3A_257, %add3A_253] : memref<2x323584xi32, #tpu.memory_space<hbm>> -> memref<1x128xi32, #tpu.memory_space<hbm>>
      %dma_wait3A_259 = arith.constant 2 : i32
      %dma_wait3A_260 = arith.constant 0 : i32
      %dma_wait3A_261 = tpu.memref_slice %arg6[%dma_wait3A_259, %dma_wait3A_260] : memref<4x128xi32, #tpu.memory_space<vmem>> -> memref<1x128xi32, #tpu.memory_space<vmem>>
      %dma_wait3A_262 = arith.constant 0 : i32
      %dma_wait3A_263 = tpu.memref_slice %arg3[%dma_wait3A_262, %add3A_253] : memref<2x323584xi32, #tpu.memory_space<hbm>> -> memref<1x128xi32, #tpu.memory_space<hbm>>
      tpu.wait_dma2 semaphore(%arg13 : memref<!tpu.dma_semaphore, #tpu.memory_space<semaphore_mem>>) src(%dma_wait3A_263 : memref<1x128xi32, #tpu.memory_space<hbm>>) dst(%dma_wait3A_261 : memref<1x128xi32, #tpu.memory_space<vmem>>)
      %mul3A_264 = arith.constant 128 : i32
      %mul3A_265 = arith.muli %add3A_250, %mul3A_264 : i32
      %add3A_266 = arith.addi %mul3A_2, %mul3A_265 : i32
      %dma_wait3A_267 = arith.constant 2 : i32
      %dma_wait3A_268 = arith.constant 0 : i32
      %dma_wait3A_269 = tpu.memref_slice %arg7[%dma_wait3A_267, %dma_wait3A_268] : memref<4x128xi32, #tpu.memory_space<vmem>> -> memref<1x128xi32, #tpu.memory_space<vmem>>
      %dma_wait3A_270 = arith.constant 1 : i32
      %dma_wait3A_271 = tpu.memref_slice %arg3[%dma_wait3A_270, %add3A_266] : memref<2x323584xi32, #tpu.memory_space<hbm>> -> memref<1x128xi32, #tpu.memory_space<hbm>>
      %dma_wait3A_272 = arith.constant 2 : i32
      %dma_wait3A_273 = arith.constant 0 : i32
      %dma_wait3A_274 = tpu.memref_slice %arg7[%dma_wait3A_272, %dma_wait3A_273] : memref<4x128xi32, #tpu.memory_space<vmem>> -> memref<1x128xi32, #tpu.memory_space<vmem>>
      %dma_wait3A_275 = arith.constant 1 : i32
      %dma_wait3A_276 = tpu.memref_slice %arg3[%dma_wait3A_275, %add3A_266] : memref<2x323584xi32, #tpu.memory_space<hbm>> -> memref<1x128xi32, #tpu.memory_space<hbm>>
      tpu.wait_dma2 semaphore(%arg13 : memref<!tpu.dma_semaphore, #tpu.memory_space<semaphore_mem>>) src(%dma_wait3A_276 : memref<1x128xi32, #tpu.memory_space<hbm>>) dst(%dma_wait3A_274 : memref<1x128xi32, #tpu.memory_space<vmem>>)
      %dma_start3A_277 = arith.constant 2 : i32
      %dma_start3A_278 = arith.constant 0 : i32
      %dma_start3A_279 = tpu.memref_slice %arg6[%dma_start3A_277, %dma_start3A_278] : memref<4x128xi32, #tpu.memory_space<vmem>> -> memref<1x128xi32, #tpu.memory_space<vmem>>
      %dma_start3A_280 = tpu.memref_squeeze %dma_start3A_279 : memref<1x128xi32, #tpu.memory_space<vmem>> -> memref<128xi32, #tpu.memory_space<vmem>>
      %dma_start3A_281 = arith.constant 0 : i32
      %dma_start3A_282 = arith.constant 0 : i32
      %dma_start3A_283 = tpu.memref_slice %arg2[%dma_start3A_281, %dma_start3A_282] : memref<10000x128xf32, #tpu.memory_space<hbm>> -> memref<10000x128xf32, #tpu.memory_space<hbm>>
      tpu.enqueue_indirect_dma source(%dma_start3A_283 : memref<10000x128xf32, #tpu.memory_space<hbm>>) target(%arg8 : memref<128x128xf32, #tpu.memory_space<vmem>>) offsets(%dma_start3A_280 : memref<128xi32, #tpu.memory_space<vmem>>) semaphore(%arg15 : memref<!tpu.dma_semaphore, #tpu.memory_space<semaphore_mem>>)
      %add3A_284 = arith.constant 4 : i32
      %add3A_285 = arith.addi %add3A_240, %add3A_284 : i32
      %lt3A_286 = arith.constant 79 : i32
      %lt3A_287 = arith.cmpi slt, %add3A_285, %lt3A_286 : i32
      %convert_element_type3A_288 = arith.extui %lt3A_287 : i1 to i32
      %cond3A_289 = arith.constant 0 : i32
      %cond3A_290 = arith.cmpi ne, %convert_element_type3A_288, %cond3A_289 : i32
      scf.if %cond3A_290 {
        %add3A_447 = arith.constant 4 : i32
        %add3A_448 = arith.addi %add3A_240, %add3A_447 : i32
        %mul3A_449 = arith.constant 128 : i32
        %mul3A_450 = arith.muli %add3A_448, %mul3A_449 : i32
        %add3A_451 = arith.addi %mul3A_2, %mul3A_450 : i32
        %dma_start3A_452 = arith.constant 0 : i32
        %dma_start3A_453 = arith.constant 0 : i32
        %dma_start3A_454 = tpu.memref_slice %arg6[%dma_start3A_452, %dma_start3A_453] : memref<4x128xi32, #tpu.memory_space<vmem>> -> memref<1x128xi32, #tpu.memory_space<vmem>>
        %dma_start3A_455 = arith.constant 0 : i32
        %dma_start3A_456 = tpu.memref_slice %arg3[%dma_start3A_455, %add3A_451] : memref<2x323584xi32, #tpu.memory_space<hbm>> -> memref<1x128xi32, #tpu.memory_space<hbm>>
        %dma_start3A_457 = arith.constant 0 : i32
        %dma_start3A_458 = arith.constant 0 : i32
        %dma_start3A_459 = tpu.memref_slice %arg6[%dma_start3A_457, %dma_start3A_458] : memref<4x128xi32, #tpu.memory_space<vmem>> -> memref<1x128xi32, #tpu.memory_space<vmem>>
        %dma_start3A_460 = arith.constant 0 : i32
        %dma_start3A_461 = tpu.memref_slice %arg3[%dma_start3A_460, %add3A_451] : memref<2x323584xi32, #tpu.memory_space<hbm>> -> memref<1x128xi32, #tpu.memory_space<hbm>>
        tpu.enqueue_dma source(%dma_start3A_461 : memref<1x128xi32, #tpu.memory_space<hbm>>) target(%dma_start3A_459 : memref<1x128xi32, #tpu.memory_space<vmem>>) target_semaphore(%arg11 : memref<!tpu.dma_semaphore, #tpu.memory_space<semaphore_mem>>)
        %mul3A_462 = arith.constant 128 : i32
        %mul3A_463 = arith.muli %add3A_448, %mul3A_462 : i32
        %add3A_464 = arith.addi %mul3A_2, %mul3A_463 : i32
        %dma_start3A_465 = arith.constant 0 : i32
        %dma_start3A_466 = arith.constant 0 : i32
        %dma_start3A_467 = tpu.memref_slice %arg7[%dma_start3A_465, %dma_start3A_466] : memref<4x128xi32, #tpu.memory_space<vmem>> -> memref<1x128xi32, #tpu.memory_space<vmem>>
        %dma_start3A_468 = arith.constant 1 : i32
        %dma_start3A_469 = tpu.memref_slice %arg3[%dma_start3A_468, %add3A_464] : memref<2x323584xi32, #tpu.memory_space<hbm>> -> memref<1x128xi32, #tpu.memory_space<hbm>>
        %dma_start3A_470 = arith.constant 0 : i32
        %dma_start3A_471 = arith.constant 0 : i32
        %dma_start3A_472 = tpu.memref_slice %arg7[%dma_start3A_470, %dma_start3A_471] : memref<4x128xi32, #tpu.memory_space<vmem>> -> memref<1x128xi32, #tpu.memory_space<vmem>>
        %dma_start3A_473 = arith.constant 1 : i32
        %dma_start3A_474 = tpu.memref_slice %arg3[%dma_start3A_473, %add3A_464] : memref<2x323584xi32, #tpu.memory_space<hbm>> -> memref<1x128xi32, #tpu.memory_space<hbm>>
        tpu.enqueue_dma source(%dma_start3A_474 : memref<1x128xi32, #tpu.memory_space<hbm>>) target(%dma_start3A_472 : memref<1x128xi32, #tpu.memory_space<vmem>>) target_semaphore(%arg11 : memref<!tpu.dma_semaphore, #tpu.memory_space<semaphore_mem>>)
      } else {
      }
      %add3A_291 = arith.constant 1 : i32
      %add3A_292 = arith.addi %add3A_238, %add3A_291 : i32
      %dma_wait3A_293 = arith.constant 1 : i32
      %dma_wait3A_294 = arith.constant 0 : i32
      %dma_wait3A_295 = tpu.memref_slice %arg6[%dma_wait3A_293, %dma_wait3A_294] : memref<4x128xi32, #tpu.memory_space<vmem>> -> memref<1x128xi32, #tpu.memory_space<vmem>>
      %dma_wait3A_296 = tpu.memref_squeeze %dma_wait3A_295 : memref<1x128xi32, #tpu.memory_space<vmem>> -> memref<128xi32, #tpu.memory_space<vmem>>
      %dma_wait3A_297 = arith.constant 0 : i32
      %dma_wait3A_298 = arith.constant 0 : i32
      %dma_wait3A_299 = tpu.memref_slice %arg2[%dma_wait3A_297, %dma_wait3A_298] : memref<10000x128xf32, #tpu.memory_space<hbm>> -> memref<10000x128xf32, #tpu.memory_space<hbm>>
      tpu.wait_indirect_dma semaphore(%arg16 : memref<!tpu.dma_semaphore, #tpu.memory_space<semaphore_mem>>) src(%dma_wait3A_299 : memref<10000x128xf32, #tpu.memory_space<hbm>>) dst(%arg9 : memref<128x128xf32, #tpu.memory_space<vmem>>)
      %run_scoped3A_300 = arith.constant 1 : i32
      "tpu.region"() ({
        %run_scoped3A_447 = tpu.sem_alloc : memref<!tpu.dma_semaphore, #tpu.memory_space<semaphore_mem>>
        %dma_start3A_448 = arith.constant 0 : i32
        %dma_start3A_449 = tpu.memref_slice %arg7[%run_scoped3A_300, %dma_start3A_448] : memref<4x128xi32, #tpu.memory_space<vmem>> -> memref<1x128xi32, #tpu.memory_space<vmem>>
        %dma_start3A_450 = tpu.memref_squeeze %dma_start3A_449 : memref<1x128xi32, #tpu.memory_space<vmem>> -> memref<128xi32, #tpu.memory_space<vmem>>
        %dma_start3A_451 = arith.constant 0 : i32
        %dma_start3A_452 = arith.constant 0 : i32
        %dma_start3A_453 = tpu.memref_slice %arg10[%dma_start3A_451, %dma_start3A_452] : memref<10240x128xf32, #tpu.memory_space<vmem_shared>> -> memref<10240x128xf32, #tpu.memory_space<vmem_shared>>
        tpu.enqueue_indirect_dma source(%arg9 : memref<128x128xf32, #tpu.memory_space<vmem>>) target(%dma_start3A_453 : memref<10240x128xf32, #tpu.memory_space<vmem_shared>>) offsets(%dma_start3A_450 : memref<128xi32, #tpu.memory_space<vmem>>) semaphore(%run_scoped3A_447 : memref<!tpu.dma_semaphore, #tpu.memory_space<semaphore_mem>>) {add = true}
        %dma_wait3A_454 = arith.constant 0 : i32
        %dma_wait3A_455 = tpu.memref_slice %arg7[%run_scoped3A_300, %dma_wait3A_454] : memref<4x128xi32, #tpu.memory_space<vmem>> -> memref<1x128xi32, #tpu.memory_space<vmem>>
        %dma_wait3A_456 = tpu.memref_squeeze %dma_wait3A_455 : memref<1x128xi32, #tpu.memory_space<vmem>> -> memref<128xi32, #tpu.memory_space<vmem>>
        %dma_wait3A_457 = arith.constant 0 : i32
        %dma_wait3A_458 = arith.constant 0 : i32
        %dma_wait3A_459 = tpu.memref_slice %arg10[%dma_wait3A_457, %dma_wait3A_458] : memref<10240x128xf32, #tpu.memory_space<vmem_shared>> -> memref<10240x128xf32, #tpu.memory_space<vmem_shared>>
        tpu.wait_indirect_dma semaphore(%run_scoped3A_447 : memref<!tpu.dma_semaphore, #tpu.memory_space<semaphore_mem>>) src(%arg9 : memref<128x128xf32, #tpu.memory_space<vmem>>) dst(%dma_wait3A_459 : memref<10240x128xf32, #tpu.memory_space<vmem_shared>>)
        tpu.yield
      }) : () -> ()
      %add3A_301 = arith.constant 2 : i32
      %add3A_302 = arith.addi %add3A_292, %add3A_301 : i32
      %mul3A_303 = arith.constant 128 : i32
      %mul3A_304 = arith.muli %add3A_302, %mul3A_303 : i32
      %add3A_305 = arith.addi %mul3A_2, %mul3A_304 : i32
      %dma_wait3A_306 = arith.constant 3 : i32
      %dma_wait3A_307 = arith.constant 0 : i32
      %dma_wait3A_308 = tpu.memref_slice %arg6[%dma_wait3A_306, %dma_wait3A_307] : memref<4x128xi32, #tpu.memory_space<vmem>> -> memref<1x128xi32, #tpu.memory_space<vmem>>
      %dma_wait3A_309 = arith.constant 0 : i32
      %dma_wait3A_310 = tpu.memref_slice %arg3[%dma_wait3A_309, %add3A_305] : memref<2x323584xi32, #tpu.memory_space<hbm>> -> memref<1x128xi32, #tpu.memory_space<hbm>>
      %dma_wait3A_311 = arith.constant 3 : i32
      %dma_wait3A_312 = arith.constant 0 : i32
      %dma_wait3A_313 = tpu.memref_slice %arg6[%dma_wait3A_311, %dma_wait3A_312] : memref<4x128xi32, #tpu.memory_space<vmem>> -> memref<1x128xi32, #tpu.memory_space<vmem>>
      %dma_wait3A_314 = arith.constant 0 : i32
      %dma_wait3A_315 = tpu.memref_slice %arg3[%dma_wait3A_314, %add3A_305] : memref<2x323584xi32, #tpu.memory_space<hbm>> -> memref<1x128xi32, #tpu.memory_space<hbm>>
      tpu.wait_dma2 semaphore(%arg14 : memref<!tpu.dma_semaphore, #tpu.memory_space<semaphore_mem>>) src(%dma_wait3A_315 : memref<1x128xi32, #tpu.memory_space<hbm>>) dst(%dma_wait3A_313 : memref<1x128xi32, #tpu.memory_space<vmem>>)
      %mul3A_316 = arith.constant 128 : i32
      %mul3A_317 = arith.muli %add3A_302, %mul3A_316 : i32
      %add3A_318 = arith.addi %mul3A_2, %mul3A_317 : i32
      %dma_wait3A_319 = arith.constant 3 : i32
      %dma_wait3A_320 = arith.constant 0 : i32
      %dma_wait3A_321 = tpu.memref_slice %arg7[%dma_wait3A_319, %dma_wait3A_320] : memref<4x128xi32, #tpu.memory_space<vmem>> -> memref<1x128xi32, #tpu.memory_space<vmem>>
      %dma_wait3A_322 = arith.constant 1 : i32
      %dma_wait3A_323 = tpu.memref_slice %arg3[%dma_wait3A_322, %add3A_318] : memref<2x323584xi32, #tpu.memory_space<hbm>> -> memref<1x128xi32, #tpu.memory_space<hbm>>
      %dma_wait3A_324 = arith.constant 3 : i32
      %dma_wait3A_325 = arith.constant 0 : i32
      %dma_wait3A_326 = tpu.memref_slice %arg7[%dma_wait3A_324, %dma_wait3A_325] : memref<4x128xi32, #tpu.memory_space<vmem>> -> memref<1x128xi32, #tpu.memory_space<vmem>>
      %dma_wait3A_327 = arith.constant 1 : i32
      %dma_wait3A_328 = tpu.memref_slice %arg3[%dma_wait3A_327, %add3A_318] : memref<2x323584xi32, #tpu.memory_space<hbm>> -> memref<1x128xi32, #tpu.memory_space<hbm>>
      tpu.wait_dma2 semaphore(%arg14 : memref<!tpu.dma_semaphore, #tpu.memory_space<semaphore_mem>>) src(%dma_wait3A_328 : memref<1x128xi32, #tpu.memory_space<hbm>>) dst(%dma_wait3A_326 : memref<1x128xi32, #tpu.memory_space<vmem>>)
      %dma_start3A_329 = arith.constant 3 : i32
      %dma_start3A_330 = arith.constant 0 : i32
      %dma_start3A_331 = tpu.memref_slice %arg6[%dma_start3A_329, %dma_start3A_330] : memref<4x128xi32, #tpu.memory_space<vmem>> -> memref<1x128xi32, #tpu.memory_space<vmem>>
      %dma_start3A_332 = tpu.memref_squeeze %dma_start3A_331 : memref<1x128xi32, #tpu.memory_space<vmem>> -> memref<128xi32, #tpu.memory_space<vmem>>
      %dma_start3A_333 = arith.constant 0 : i32
      %dma_start3A_334 = arith.constant 0 : i32
      %dma_start3A_335 = tpu.memref_slice %arg2[%dma_start3A_333, %dma_start3A_334] : memref<10000x128xf32, #tpu.memory_space<hbm>> -> memref<10000x128xf32, #tpu.memory_space<hbm>>
      tpu.enqueue_indirect_dma source(%dma_start3A_335 : memref<10000x128xf32, #tpu.memory_space<hbm>>) target(%arg9 : memref<128x128xf32, #tpu.memory_space<vmem>>) offsets(%dma_start3A_332 : memref<128xi32, #tpu.memory_space<vmem>>) semaphore(%arg16 : memref<!tpu.dma_semaphore, #tpu.memory_space<semaphore_mem>>)
      %add3A_336 = arith.constant 4 : i32
      %add3A_337 = arith.addi %add3A_292, %add3A_336 : i32
      %lt3A_338 = arith.constant 79 : i32
      %lt3A_339 = arith.cmpi slt, %add3A_337, %lt3A_338 : i32
      %convert_element_type3A_340 = arith.extui %lt3A_339 : i1 to i32
      %cond3A_341 = arith.constant 0 : i32
      %cond3A_342 = arith.cmpi ne, %convert_element_type3A_340, %cond3A_341 : i32
      scf.if %cond3A_342 {
        %add3A_447 = arith.constant 4 : i32
        %add3A_448 = arith.addi %add3A_292, %add3A_447 : i32
        %mul3A_449 = arith.constant 128 : i32
        %mul3A_450 = arith.muli %add3A_448, %mul3A_449 : i32
        %add3A_451 = arith.addi %mul3A_2, %mul3A_450 : i32
        %dma_start3A_452 = arith.constant 1 : i32
        %dma_start3A_453 = arith.constant 0 : i32
        %dma_start3A_454 = tpu.memref_slice %arg6[%dma_start3A_452, %dma_start3A_453] : memref<4x128xi32, #tpu.memory_space<vmem>> -> memref<1x128xi32, #tpu.memory_space<vmem>>
        %dma_start3A_455 = arith.constant 0 : i32
        %dma_start3A_456 = tpu.memref_slice %arg3[%dma_start3A_455, %add3A_451] : memref<2x323584xi32, #tpu.memory_space<hbm>> -> memref<1x128xi32, #tpu.memory_space<hbm>>
        %dma_start3A_457 = arith.constant 1 : i32
        %dma_start3A_458 = arith.constant 0 : i32
        %dma_start3A_459 = tpu.memref_slice %arg6[%dma_start3A_457, %dma_start3A_458] : memref<4x128xi32, #tpu.memory_space<vmem>> -> memref<1x128xi32, #tpu.memory_space<vmem>>
        %dma_start3A_460 = arith.constant 0 : i32
        %dma_start3A_461 = tpu.memref_slice %arg3[%dma_start3A_460, %add3A_451] : memref<2x323584xi32, #tpu.memory_space<hbm>> -> memref<1x128xi32, #tpu.memory_space<hbm>>
        tpu.enqueue_dma source(%dma_start3A_461 : memref<1x128xi32, #tpu.memory_space<hbm>>) target(%dma_start3A_459 : memref<1x128xi32, #tpu.memory_space<vmem>>) target_semaphore(%arg12 : memref<!tpu.dma_semaphore, #tpu.memory_space<semaphore_mem>>)
        %mul3A_462 = arith.constant 128 : i32
        %mul3A_463 = arith.muli %add3A_448, %mul3A_462 : i32
        %add3A_464 = arith.addi %mul3A_2, %mul3A_463 : i32
        %dma_start3A_465 = arith.constant 1 : i32
        %dma_start3A_466 = arith.constant 0 : i32
        %dma_start3A_467 = tpu.memref_slice %arg7[%dma_start3A_465, %dma_start3A_466] : memref<4x128xi32, #tpu.memory_space<vmem>> -> memref<1x128xi32, #tpu.memory_space<vmem>>
        %dma_start3A_468 = arith.constant 1 : i32
        %dma_start3A_469 = tpu.memref_slice %arg3[%dma_start3A_468, %add3A_464] : memref<2x323584xi32, #tpu.memory_space<hbm>> -> memref<1x128xi32, #tpu.memory_space<hbm>>
        %dma_start3A_470 = arith.constant 1 : i32
        %dma_start3A_471 = arith.constant 0 : i32
        %dma_start3A_472 = tpu.memref_slice %arg7[%dma_start3A_470, %dma_start3A_471] : memref<4x128xi32, #tpu.memory_space<vmem>> -> memref<1x128xi32, #tpu.memory_space<vmem>>
        %dma_start3A_473 = arith.constant 1 : i32
        %dma_start3A_474 = tpu.memref_slice %arg3[%dma_start3A_473, %add3A_464] : memref<2x323584xi32, #tpu.memory_space<hbm>> -> memref<1x128xi32, #tpu.memory_space<hbm>>
        tpu.enqueue_dma source(%dma_start3A_474 : memref<1x128xi32, #tpu.memory_space<hbm>>) target(%dma_start3A_472 : memref<1x128xi32, #tpu.memory_space<vmem>>) target_semaphore(%arg12 : memref<!tpu.dma_semaphore, #tpu.memory_space<semaphore_mem>>)
      } else {
      }
      %add3A_343 = arith.constant 2 : i32
      %add3A_344 = arith.addi %add3A_238, %add3A_343 : i32
      %dma_wait3A_345 = arith.constant 2 : i32
      %dma_wait3A_346 = arith.constant 0 : i32
      %dma_wait3A_347 = tpu.memref_slice %arg6[%dma_wait3A_345, %dma_wait3A_346] : memref<4x128xi32, #tpu.memory_space<vmem>> -> memref<1x128xi32, #tpu.memory_space<vmem>>
      %dma_wait3A_348 = tpu.memref_squeeze %dma_wait3A_347 : memref<1x128xi32, #tpu.memory_space<vmem>> -> memref<128xi32, #tpu.memory_space<vmem>>
      %dma_wait3A_349 = arith.constant 0 : i32
      %dma_wait3A_350 = arith.constant 0 : i32
      %dma_wait3A_351 = tpu.memref_slice %arg2[%dma_wait3A_349, %dma_wait3A_350] : memref<10000x128xf32, #tpu.memory_space<hbm>> -> memref<10000x128xf32, #tpu.memory_space<hbm>>
      tpu.wait_indirect_dma semaphore(%arg15 : memref<!tpu.dma_semaphore, #tpu.memory_space<semaphore_mem>>) src(%dma_wait3A_351 : memref<10000x128xf32, #tpu.memory_space<hbm>>) dst(%arg8 : memref<128x128xf32, #tpu.memory_space<vmem>>)
      %run_scoped3A_352 = arith.constant 2 : i32
      "tpu.region"() ({
        %run_scoped3A_447 = tpu.sem_alloc : memref<!tpu.dma_semaphore, #tpu.memory_space<semaphore_mem>>
        %dma_start3A_448 = arith.constant 0 : i32
        %dma_start3A_449 = tpu.memref_slice %arg7[%run_scoped3A_352, %dma_start3A_448] : memref<4x128xi32, #tpu.memory_space<vmem>> -> memref<1x128xi32, #tpu.memory_space<vmem>>
        %dma_start3A_450 = tpu.memref_squeeze %dma_start3A_449 : memref<1x128xi32, #tpu.memory_space<vmem>> -> memref<128xi32, #tpu.memory_space<vmem>>
        %dma_start3A_451 = arith.constant 0 : i32
        %dma_start3A_452 = arith.constant 0 : i32
        %dma_start3A_453 = tpu.memref_slice %arg10[%dma_start3A_451, %dma_start3A_452] : memref<10240x128xf32, #tpu.memory_space<vmem_shared>> -> memref<10240x128xf32, #tpu.memory_space<vmem_shared>>
        tpu.enqueue_indirect_dma source(%arg8 : memref<128x128xf32, #tpu.memory_space<vmem>>) target(%dma_start3A_453 : memref<10240x128xf32, #tpu.memory_space<vmem_shared>>) offsets(%dma_start3A_450 : memref<128xi32, #tpu.memory_space<vmem>>) semaphore(%run_scoped3A_447 : memref<!tpu.dma_semaphore, #tpu.memory_space<semaphore_mem>>) {add = true}
        %dma_wait3A_454 = arith.constant 0 : i32
        %dma_wait3A_455 = tpu.memref_slice %arg7[%run_scoped3A_352, %dma_wait3A_454] : memref<4x128xi32, #tpu.memory_space<vmem>> -> memref<1x128xi32, #tpu.memory_space<vmem>>
        %dma_wait3A_456 = tpu.memref_squeeze %dma_wait3A_455 : memref<1x128xi32, #tpu.memory_space<vmem>> -> memref<128xi32, #tpu.memory_space<vmem>>
        %dma_wait3A_457 = arith.constant 0 : i32
        %dma_wait3A_458 = arith.constant 0 : i32
        %dma_wait3A_459 = tpu.memref_slice %arg10[%dma_wait3A_457, %dma_wait3A_458] : memref<10240x128xf32, #tpu.memory_space<vmem_shared>> -> memref<10240x128xf32, #tpu.memory_space<vmem_shared>>
        tpu.wait_indirect_dma semaphore(%run_scoped3A_447 : memref<!tpu.dma_semaphore, #tpu.memory_space<semaphore_mem>>) src(%arg8 : memref<128x128xf32, #tpu.memory_space<vmem>>) dst(%dma_wait3A_459 : memref<10240x128xf32, #tpu.memory_space<vmem_shared>>)
        tpu.yield
      }) : () -> ()
      %add3A_353 = arith.constant 2 : i32
      %add3A_354 = arith.addi %add3A_344, %add3A_353 : i32
      %mul3A_355 = arith.constant 128 : i32
      %mul3A_356 = arith.muli %add3A_354, %mul3A_355 : i32
      %add3A_357 = arith.addi %mul3A_2, %mul3A_356 : i32
      %dma_wait3A_358 = arith.constant 0 : i32
      %dma_wait3A_359 = arith.constant 0 : i32
      %dma_wait3A_360 = tpu.memref_slice %arg6[%dma_wait3A_358, %dma_wait3A_359] : memref<4x128xi32, #tpu.memory_space<vmem>> -> memref<1x128xi32, #tpu.memory_space<vmem>>
      %dma_wait3A_361 = arith.constant 0 : i32
      %dma_wait3A_362 = tpu.memref_slice %arg3[%dma_wait3A_361, %add3A_357] : memref<2x323584xi32, #tpu.memory_space<hbm>> -> memref<1x128xi32, #tpu.memory_space<hbm>>
      %dma_wait3A_363 = arith.constant 0 : i32
      %dma_wait3A_364 = arith.constant 0 : i32
      %dma_wait3A_365 = tpu.memref_slice %arg6[%dma_wait3A_363, %dma_wait3A_364] : memref<4x128xi32, #tpu.memory_space<vmem>> -> memref<1x128xi32, #tpu.memory_space<vmem>>
      %dma_wait3A_366 = arith.constant 0 : i32
      %dma_wait3A_367 = tpu.memref_slice %arg3[%dma_wait3A_366, %add3A_357] : memref<2x323584xi32, #tpu.memory_space<hbm>> -> memref<1x128xi32, #tpu.memory_space<hbm>>
      tpu.wait_dma2 semaphore(%arg11 : memref<!tpu.dma_semaphore, #tpu.memory_space<semaphore_mem>>) src(%dma_wait3A_367 : memref<1x128xi32, #tpu.memory_space<hbm>>) dst(%dma_wait3A_365 : memref<1x128xi32, #tpu.memory_space<vmem>>)
      %mul3A_368 = arith.constant 128 : i32
      %mul3A_369 = arith.muli %add3A_354, %mul3A_368 : i32
      %add3A_370 = arith.addi %mul3A_2, %mul3A_369 : i32
      %dma_wait3A_371 = arith.constant 0 : i32
      %dma_wait3A_372 = arith.constant 0 : i32
      %dma_wait3A_373 = tpu.memref_slice %arg7[%dma_wait3A_371, %dma_wait3A_372] : memref<4x128xi32, #tpu.memory_space<vmem>> -> memref<1x128xi32, #tpu.memory_space<vmem>>
      %dma_wait3A_374 = arith.constant 1 : i32
      %dma_wait3A_375 = tpu.memref_slice %arg3[%dma_wait3A_374, %add3A_370] : memref<2x323584xi32, #tpu.memory_space<hbm>> -> memref<1x128xi32, #tpu.memory_space<hbm>>
      %dma_wait3A_376 = arith.constant 0 : i32
      %dma_wait3A_377 = arith.constant 0 : i32
      %dma_wait3A_378 = tpu.memref_slice %arg7[%dma_wait3A_376, %dma_wait3A_377] : memref<4x128xi32, #tpu.memory_space<vmem>> -> memref<1x128xi32, #tpu.memory_space<vmem>>
      %dma_wait3A_379 = arith.constant 1 : i32
      %dma_wait3A_380 = tpu.memref_slice %arg3[%dma_wait3A_379, %add3A_370] : memref<2x323584xi32, #tpu.memory_space<hbm>> -> memref<1x128xi32, #tpu.memory_space<hbm>>
      tpu.wait_dma2 semaphore(%arg11 : memref<!tpu.dma_semaphore, #tpu.memory_space<semaphore_mem>>) src(%dma_wait3A_380 : memref<1x128xi32, #tpu.memory_space<hbm>>) dst(%dma_wait3A_378 : memref<1x128xi32, #tpu.memory_space<vmem>>)
      %dma_start3A_381 = arith.constant 0 : i32
      %dma_start3A_382 = arith.constant 0 : i32
      %dma_start3A_383 = tpu.memref_slice %arg6[%dma_start3A_381, %dma_start3A_382] : memref<4x128xi32, #tpu.memory_space<vmem>> -> memref<1x128xi32, #tpu.memory_space<vmem>>
      %dma_start3A_384 = tpu.memref_squeeze %dma_start3A_383 : memref<1x128xi32, #tpu.memory_space<vmem>> -> memref<128xi32, #tpu.memory_space<vmem>>
      %dma_start3A_385 = arith.constant 0 : i32
      %dma_start3A_386 = arith.constant 0 : i32
      %dma_start3A_387 = tpu.memref_slice %arg2[%dma_start3A_385, %dma_start3A_386] : memref<10000x128xf32, #tpu.memory_space<hbm>> -> memref<10000x128xf32, #tpu.memory_space<hbm>>
      tpu.enqueue_indirect_dma source(%dma_start3A_387 : memref<10000x128xf32, #tpu.memory_space<hbm>>) target(%arg8 : memref<128x128xf32, #tpu.memory_space<vmem>>) offsets(%dma_start3A_384 : memref<128xi32, #tpu.memory_space<vmem>>) semaphore(%arg15 : memref<!tpu.dma_semaphore, #tpu.memory_space<semaphore_mem>>)
      %add3A_388 = arith.constant 4 : i32
      %add3A_389 = arith.addi %add3A_344, %add3A_388 : i32
      %lt3A_390 = arith.constant 79 : i32
      %lt3A_391 = arith.cmpi slt, %add3A_389, %lt3A_390 : i32
      %convert_element_type3A_392 = arith.extui %lt3A_391 : i1 to i32
      %cond3A_393 = arith.constant 0 : i32
      %cond3A_394 = arith.cmpi ne, %convert_element_type3A_392, %cond3A_393 : i32
      scf.if %cond3A_394 {
        %add3A_447 = arith.constant 4 : i32
        %add3A_448 = arith.addi %add3A_344, %add3A_447 : i32
        %mul3A_449 = arith.constant 128 : i32
        %mul3A_450 = arith.muli %add3A_448, %mul3A_449 : i32
        %add3A_451 = arith.addi %mul3A_2, %mul3A_450 : i32
        %dma_start3A_452 = arith.constant 2 : i32
        %dma_start3A_453 = arith.constant 0 : i32
        %dma_start3A_454 = tpu.memref_slice %arg6[%dma_start3A_452, %dma_start3A_453] : memref<4x128xi32, #tpu.memory_space<vmem>> -> memref<1x128xi32, #tpu.memory_space<vmem>>
        %dma_start3A_455 = arith.constant 0 : i32
        %dma_start3A_456 = tpu.memref_slice %arg3[%dma_start3A_455, %add3A_451] : memref<2x323584xi32, #tpu.memory_space<hbm>> -> memref<1x128xi32, #tpu.memory_space<hbm>>
        %dma_start3A_457 = arith.constant 2 : i32
        %dma_start3A_458 = arith.constant 0 : i32
        %dma_start3A_459 = tpu.memref_slice %arg6[%dma_start3A_457, %dma_start3A_458] : memref<4x128xi32, #tpu.memory_space<vmem>> -> memref<1x128xi32, #tpu.memory_space<vmem>>
        %dma_start3A_460 = arith.constant 0 : i32
        %dma_start3A_461 = tpu.memref_slice %arg3[%dma_start3A_460, %add3A_451] : memref<2x323584xi32, #tpu.memory_space<hbm>> -> memref<1x128xi32, #tpu.memory_space<hbm>>
        tpu.enqueue_dma source(%dma_start3A_461 : memref<1x128xi32, #tpu.memory_space<hbm>>) target(%dma_start3A_459 : memref<1x128xi32, #tpu.memory_space<vmem>>) target_semaphore(%arg13 : memref<!tpu.dma_semaphore, #tpu.memory_space<semaphore_mem>>)
        %mul3A_462 = arith.constant 128 : i32
        %mul3A_463 = arith.muli %add3A_448, %mul3A_462 : i32
        %add3A_464 = arith.addi %mul3A_2, %mul3A_463 : i32
        %dma_start3A_465 = arith.constant 2 : i32
        %dma_start3A_466 = arith.constant 0 : i32
        %dma_start3A_467 = tpu.memref_slice %arg7[%dma_start3A_465, %dma_start3A_466] : memref<4x128xi32, #tpu.memory_space<vmem>> -> memref<1x128xi32, #tpu.memory_space<vmem>>
        %dma_start3A_468 = arith.constant 1 : i32
        %dma_start3A_469 = tpu.memref_slice %arg3[%dma_start3A_468, %add3A_464] : memref<2x323584xi32, #tpu.memory_space<hbm>> -> memref<1x128xi32, #tpu.memory_space<hbm>>
        %dma_start3A_470 = arith.constant 2 : i32
        %dma_start3A_471 = arith.constant 0 : i32
        %dma_start3A_472 = tpu.memref_slice %arg7[%dma_start3A_470, %dma_start3A_471] : memref<4x128xi32, #tpu.memory_space<vmem>> -> memref<1x128xi32, #tpu.memory_space<vmem>>
        %dma_start3A_473 = arith.constant 1 : i32
        %dma_start3A_474 = tpu.memref_slice %arg3[%dma_start3A_473, %add3A_464] : memref<2x323584xi32, #tpu.memory_space<hbm>> -> memref<1x128xi32, #tpu.memory_space<hbm>>
        tpu.enqueue_dma source(%dma_start3A_474 : memref<1x128xi32, #tpu.memory_space<hbm>>) target(%dma_start3A_472 : memref<1x128xi32, #tpu.memory_space<vmem>>) target_semaphore(%arg13 : memref<!tpu.dma_semaphore, #tpu.memory_space<semaphore_mem>>)
      } else {
      }
      %add3A_395 = arith.constant 3 : i32
      %add3A_396 = arith.addi %add3A_238, %add3A_395 : i32
      %dma_wait3A_397 = arith.constant 3 : i32
      %dma_wait3A_398 = arith.constant 0 : i32
      %dma_wait3A_399 = tpu.memref_slice %arg6[%dma_wait3A_397, %dma_wait3A_398] : memref<4x128xi32, #tpu.memory_space<vmem>> -> memref<1x128xi32, #tpu.memory_space<vmem>>
      %dma_wait3A_400 = tpu.memref_squeeze %dma_wait3A_399 : memref<1x128xi32, #tpu.memory_space<vmem>> -> memref<128xi32, #tpu.memory_space<vmem>>
      %dma_wait3A_401 = arith.constant 0 : i32
      %dma_wait3A_402 = arith.constant 0 : i32
      %dma_wait3A_403 = tpu.memref_slice %arg2[%dma_wait3A_401, %dma_wait3A_402] : memref<10000x128xf32, #tpu.memory_space<hbm>> -> memref<10000x128xf32, #tpu.memory_space<hbm>>
      tpu.wait_indirect_dma semaphore(%arg16 : memref<!tpu.dma_semaphore, #tpu.memory_space<semaphore_mem>>) src(%dma_wait3A_403 : memref<10000x128xf32, #tpu.memory_space<hbm>>) dst(%arg9 : memref<128x128xf32, #tpu.memory_space<vmem>>)
      %run_scoped3A_404 = arith.constant 3 : i32
      "tpu.region"() ({
        %run_scoped3A_447 = tpu.sem_alloc : memref<!tpu.dma_semaphore, #tpu.memory_space<semaphore_mem>>
        %dma_start3A_448 = arith.constant 0 : i32
        %dma_start3A_449 = tpu.memref_slice %arg7[%run_scoped3A_404, %dma_start3A_448] : memref<4x128xi32, #tpu.memory_space<vmem>> -> memref<1x128xi32, #tpu.memory_space<vmem>>
        %dma_start3A_450 = tpu.memref_squeeze %dma_start3A_449 : memref<1x128xi32, #tpu.memory_space<vmem>> -> memref<128xi32, #tpu.memory_space<vmem>>
        %dma_start3A_451 = arith.constant 0 : i32
        %dma_start3A_452 = arith.constant 0 : i32
        %dma_start3A_453 = tpu.memref_slice %arg10[%dma_start3A_451, %dma_start3A_452] : memref<10240x128xf32, #tpu.memory_space<vmem_shared>> -> memref<10240x128xf32, #tpu.memory_space<vmem_shared>>
        tpu.enqueue_indirect_dma source(%arg9 : memref<128x128xf32, #tpu.memory_space<vmem>>) target(%dma_start3A_453 : memref<10240x128xf32, #tpu.memory_space<vmem_shared>>) offsets(%dma_start3A_450 : memref<128xi32, #tpu.memory_space<vmem>>) semaphore(%run_scoped3A_447 : memref<!tpu.dma_semaphore, #tpu.memory_space<semaphore_mem>>) {add = true}
        %dma_wait3A_454 = arith.constant 0 : i32
        %dma_wait3A_455 = tpu.memref_slice %arg7[%run_scoped3A_404, %dma_wait3A_454] : memref<4x128xi32, #tpu.memory_space<vmem>> -> memref<1x128xi32, #tpu.memory_space<vmem>>
        %dma_wait3A_456 = tpu.memref_squeeze %dma_wait3A_455 : memref<1x128xi32, #tpu.memory_space<vmem>> -> memref<128xi32, #tpu.memory_space<vmem>>
        %dma_wait3A_457 = arith.constant 0 : i32
        %dma_wait3A_458 = arith.constant 0 : i32
        %dma_wait3A_459 = tpu.memref_slice %arg10[%dma_wait3A_457, %dma_wait3A_458] : memref<10240x128xf32, #tpu.memory_space<vmem_shared>> -> memref<10240x128xf32, #tpu.memory_space<vmem_shared>>
        tpu.wait_indirect_dma semaphore(%run_scoped3A_447 : memref<!tpu.dma_semaphore, #tpu.memory_space<semaphore_mem>>) src(%arg9 : memref<128x128xf32, #tpu.memory_space<vmem>>) dst(%dma_wait3A_459 : memref<10240x128xf32, #tpu.memory_space<vmem_shared>>)
        tpu.yield
      }) : () -> ()
      %add3A_405 = arith.constant 2 : i32
      %add3A_406 = arith.addi %add3A_396, %add3A_405 : i32
      %mul3A_407 = arith.constant 128 : i32
      %mul3A_408 = arith.muli %add3A_406, %mul3A_407 : i32
      %add3A_409 = arith.addi %mul3A_2, %mul3A_408 : i32
      %dma_wait3A_410 = arith.constant 1 : i32
      %dma_wait3A_411 = arith.constant 0 : i32
      %dma_wait3A_412 = tpu.memref_slice %arg6[%dma_wait3A_410, %dma_wait3A_411] : memref<4x128xi32, #tpu.memory_space<vmem>> -> memref<1x128xi32, #tpu.memory_space<vmem>>
      %dma_wait3A_413 = arith.constant 0 : i32
      %dma_wait3A_414 = tpu.memref_slice %arg3[%dma_wait3A_413, %add3A_409] : memref<2x323584xi32, #tpu.memory_space<hbm>> -> memref<1x128xi32, #tpu.memory_space<hbm>>
      %dma_wait3A_415 = arith.constant 1 : i32
      %dma_wait3A_416 = arith.constant 0 : i32
      %dma_wait3A_417 = tpu.memref_slice %arg6[%dma_wait3A_415, %dma_wait3A_416] : memref<4x128xi32, #tpu.memory_space<vmem>> -> memref<1x128xi32, #tpu.memory_space<vmem>>
      %dma_wait3A_418 = arith.constant 0 : i32
      %dma_wait3A_419 = tpu.memref_slice %arg3[%dma_wait3A_418, %add3A_409] : memref<2x323584xi32, #tpu.memory_space<hbm>> -> memref<1x128xi32, #tpu.memory_space<hbm>>
      tpu.wait_dma2 semaphore(%arg12 : memref<!tpu.dma_semaphore, #tpu.memory_space<semaphore_mem>>) src(%dma_wait3A_419 : memref<1x128xi32, #tpu.memory_space<hbm>>) dst(%dma_wait3A_417 : memref<1x128xi32, #tpu.memory_space<vmem>>)
      %mul3A_420 = arith.constant 128 : i32
      %mul3A_421 = arith.muli %add3A_406, %mul3A_420 : i32
      %add3A_422 = arith.addi %mul3A_2, %mul3A_421 : i32
      %dma_wait3A_423 = arith.constant 1 : i32
      %dma_wait3A_424 = arith.constant 0 : i32
      %dma_wait3A_425 = tpu.memref_slice %arg7[%dma_wait3A_423, %dma_wait3A_424] : memref<4x128xi32, #tpu.memory_space<vmem>> -> memref<1x128xi32, #tpu.memory_space<vmem>>
      %dma_wait3A_426 = arith.constant 1 : i32
      %dma_wait3A_427 = tpu.memref_slice %arg3[%dma_wait3A_426, %add3A_422] : memref<2x323584xi32, #tpu.memory_space<hbm>> -> memref<1x128xi32, #tpu.memory_space<hbm>>
      %dma_wait3A_428 = arith.constant 1 : i32
      %dma_wait3A_429 = arith.constant 0 : i32
      %dma_wait3A_430 = tpu.memref_slice %arg7[%dma_wait3A_428, %dma_wait3A_429] : memref<4x128xi32, #tpu.memory_space<vmem>> -> memref<1x128xi32, #tpu.memory_space<vmem>>
      %dma_wait3A_431 = arith.constant 1 : i32
      %dma_wait3A_432 = tpu.memref_slice %arg3[%dma_wait3A_431, %add3A_422] : memref<2x323584xi32, #tpu.memory_space<hbm>> -> memref<1x128xi32, #tpu.memory_space<hbm>>
      tpu.wait_dma2 semaphore(%arg12 : memref<!tpu.dma_semaphore, #tpu.memory_space<semaphore_mem>>) src(%dma_wait3A_432 : memref<1x128xi32, #tpu.memory_space<hbm>>) dst(%dma_wait3A_430 : memref<1x128xi32, #tpu.memory_space<vmem>>)
      %dma_start3A_433 = arith.constant 1 : i32
      %dma_start3A_434 = arith.constant 0 : i32
      %dma_start3A_435 = tpu.memref_slice %arg6[%dma_start3A_433, %dma_start3A_434] : memref<4x128xi32, #tpu.memory_space<vmem>> -> memref<1x128xi32, #tpu.memory_space<vmem>>
      %dma_start3A_436 = tpu.memref_squeeze %dma_start3A_435 : memref<1x128xi32, #tpu.memory_space<vmem>> -> memref<128xi32, #tpu.memory_space<vmem>>
      %dma_start3A_437 = arith.constant 0 : i32
      %dma_start3A_438 = arith.constant 0 : i32
      %dma_start3A_439 = tpu.memref_slice %arg2[%dma_start3A_437, %dma_start3A_438] : memref<10000x128xf32, #tpu.memory_space<hbm>> -> memref<10000x128xf32, #tpu.memory_space<hbm>>
      tpu.enqueue_indirect_dma source(%dma_start3A_439 : memref<10000x128xf32, #tpu.memory_space<hbm>>) target(%arg9 : memref<128x128xf32, #tpu.memory_space<vmem>>) offsets(%dma_start3A_436 : memref<128xi32, #tpu.memory_space<vmem>>) semaphore(%arg16 : memref<!tpu.dma_semaphore, #tpu.memory_space<semaphore_mem>>)
      %add3A_440 = arith.constant 4 : i32
      %add3A_441 = arith.addi %add3A_396, %add3A_440 : i32
      %lt3A_442 = arith.constant 79 : i32
      %lt3A_443 = arith.cmpi slt, %add3A_441, %lt3A_442 : i32
      %convert_element_type3A_444 = arith.extui %lt3A_443 : i1 to i32
      %cond3A_445 = arith.constant 0 : i32
      %cond3A_446 = arith.cmpi ne, %convert_element_type3A_444, %cond3A_445 : i32
      scf.if %cond3A_446 {
        %add3A_447 = arith.constant 4 : i32
        %add3A_448 = arith.addi %add3A_396, %add3A_447 : i32
        %mul3A_449 = arith.constant 128 : i32
        %mul3A_450 = arith.muli %add3A_448, %mul3A_449 : i32
        %add3A_451 = arith.addi %mul3A_2, %mul3A_450 : i32
        %dma_start3A_452 = arith.constant 3 : i32
        %dma_start3A_453 = arith.constant 0 : i32
        %dma_start3A_454 = tpu.memref_slice %arg6[%dma_start3A_452, %dma_start3A_453] : memref<4x128xi32, #tpu.memory_space<vmem>> -> memref<1x128xi32, #tpu.memory_space<vmem>>
        %dma_start3A_455 = arith.constant 0 : i32
        %dma_start3A_456 = tpu.memref_slice %arg3[%dma_start3A_455, %add3A_451] : memref<2x323584xi32, #tpu.memory_space<hbm>> -> memref<1x128xi32, #tpu.memory_space<hbm>>
        %dma_start3A_457 = arith.constant 3 : i32
        %dma_start3A_458 = arith.constant 0 : i32
        %dma_start3A_459 = tpu.memref_slice %arg6[%dma_start3A_457, %dma_start3A_458] : memref<4x128xi32, #tpu.memory_space<vmem>> -> memref<1x128xi32, #tpu.memory_space<vmem>>
        %dma_start3A_460 = arith.constant 0 : i32
        %dma_start3A_461 = tpu.memref_slice %arg3[%dma_start3A_460, %add3A_451] : memref<2x323584xi32, #tpu.memory_space<hbm>> -> memref<1x128xi32, #tpu.memory_space<hbm>>
        tpu.enqueue_dma source(%dma_start3A_461 : memref<1x128xi32, #tpu.memory_space<hbm>>) target(%dma_start3A_459 : memref<1x128xi32, #tpu.memory_space<vmem>>) target_semaphore(%arg14 : memref<!tpu.dma_semaphore, #tpu.memory_space<semaphore_mem>>)
        %mul3A_462 = arith.constant 128 : i32
        %mul3A_463 = arith.muli %add3A_448, %mul3A_462 : i32
        %add3A_464 = arith.addi %mul3A_2, %mul3A_463 : i32
        %dma_start3A_465 = arith.constant 3 : i32
        %dma_start3A_466 = arith.constant 0 : i32
        %dma_start3A_467 = tpu.memref_slice %arg7[%dma_start3A_465, %dma_start3A_466] : memref<4x128xi32, #tpu.memory_space<vmem>> -> memref<1x128xi32, #tpu.memory_space<vmem>>
        %dma_start3A_468 = arith.constant 1 : i32
        %dma_start3A_469 = tpu.memref_slice %arg3[%dma_start3A_468, %add3A_464] : memref<2x323584xi32, #tpu.memory_space<hbm>> -> memref<1x128xi32, #tpu.memory_space<hbm>>
        %dma_start3A_470 = arith.constant 3 : i32
        %dma_start3A_471 = arith.constant 0 : i32
        %dma_start3A_472 = tpu.memref_slice %arg7[%dma_start3A_470, %dma_start3A_471] : memref<4x128xi32, #tpu.memory_space<vmem>> -> memref<1x128xi32, #tpu.memory_space<vmem>>
        %dma_start3A_473 = arith.constant 1 : i32
        %dma_start3A_474 = tpu.memref_slice %arg3[%dma_start3A_473, %add3A_464] : memref<2x323584xi32, #tpu.memory_space<hbm>> -> memref<1x128xi32, #tpu.memory_space<hbm>>
        tpu.enqueue_dma source(%dma_start3A_474 : memref<1x128xi32, #tpu.memory_space<hbm>>) target(%dma_start3A_472 : memref<1x128xi32, #tpu.memory_space<vmem>>) target_semaphore(%arg14 : memref<!tpu.dma_semaphore, #tpu.memory_space<semaphore_mem>>)
      } else {
      }
    }
    %scan3A_168 = arith.constant 19 : i32
    %dma_wait3A_169 = arith.constant 0 : i32
    %dma_wait3A_170 = arith.constant 0 : i32
    %dma_wait3A_171 = tpu.memref_slice %arg6[%dma_wait3A_169, %dma_wait3A_170] : memref<4x128xi32, #tpu.memory_space<vmem>> -> memref<1x128xi32, #tpu.memory_space<vmem>>
    %dma_wait3A_172 = tpu.memref_squeeze %dma_wait3A_171 : memref<1x128xi32, #tpu.memory_space<vmem>> -> memref<128xi32, #tpu.memory_space<vmem>>
    %dma_wait3A_173 = arith.constant 0 : i32
    %dma_wait3A_174 = arith.constant 0 : i32
    %dma_wait3A_175 = tpu.memref_slice %arg2[%dma_wait3A_173, %dma_wait3A_174] : memref<10000x128xf32, #tpu.memory_space<hbm>> -> memref<10000x128xf32, #tpu.memory_space<hbm>>
    tpu.wait_indirect_dma semaphore(%arg15 : memref<!tpu.dma_semaphore, #tpu.memory_space<semaphore_mem>>) src(%dma_wait3A_175 : memref<10000x128xf32, #tpu.memory_space<hbm>>) dst(%arg8 : memref<128x128xf32, #tpu.memory_space<vmem>>)
    %run_scoped3A = arith.constant 0 : i32
    "tpu.region"() ({
      %run_scoped3A_234 = tpu.sem_alloc : memref<!tpu.dma_semaphore, #tpu.memory_space<semaphore_mem>>
      %dma_start3A_235 = arith.constant 0 : i32
      %dma_start3A_236 = tpu.memref_slice %arg7[%run_scoped3A, %dma_start3A_235] : memref<4x128xi32, #tpu.memory_space<vmem>> -> memref<1x128xi32, #tpu.memory_space<vmem>>
      %dma_start3A_237 = tpu.memref_squeeze %dma_start3A_236 : memref<1x128xi32, #tpu.memory_space<vmem>> -> memref<128xi32, #tpu.memory_space<vmem>>
      %dma_start3A_238 = arith.constant 0 : i32
      %dma_start3A_239 = arith.constant 0 : i32
      %dma_start3A_240 = tpu.memref_slice %arg10[%dma_start3A_238, %dma_start3A_239] : memref<10240x128xf32, #tpu.memory_space<vmem_shared>> -> memref<10240x128xf32, #tpu.memory_space<vmem_shared>>
      tpu.enqueue_indirect_dma source(%arg8 : memref<128x128xf32, #tpu.memory_space<vmem>>) target(%dma_start3A_240 : memref<10240x128xf32, #tpu.memory_space<vmem_shared>>) offsets(%dma_start3A_237 : memref<128xi32, #tpu.memory_space<vmem>>) semaphore(%run_scoped3A_234 : memref<!tpu.dma_semaphore, #tpu.memory_space<semaphore_mem>>) {add = true}
      %dma_wait3A_241 = arith.constant 0 : i32
      %dma_wait3A_242 = tpu.memref_slice %arg7[%run_scoped3A, %dma_wait3A_241] : memref<4x128xi32, #tpu.memory_space<vmem>> -> memref<1x128xi32, #tpu.memory_space<vmem>>
      %dma_wait3A_243 = tpu.memref_squeeze %dma_wait3A_242 : memref<1x128xi32, #tpu.memory_space<vmem>> -> memref<128xi32, #tpu.memory_space<vmem>>
      %dma_wait3A_244 = arith.constant 0 : i32
      %dma_wait3A_245 = arith.constant 0 : i32
      %dma_wait3A_246 = tpu.memref_slice %arg10[%dma_wait3A_244, %dma_wait3A_245] : memref<10240x128xf32, #tpu.memory_space<vmem_shared>> -> memref<10240x128xf32, #tpu.memory_space<vmem_shared>>
      tpu.wait_indirect_dma semaphore(%run_scoped3A_234 : memref<!tpu.dma_semaphore, #tpu.memory_space<semaphore_mem>>) src(%arg8 : memref<128x128xf32, #tpu.memory_space<vmem>>) dst(%dma_wait3A_246 : memref<10240x128xf32, #tpu.memory_space<vmem_shared>>)
      tpu.yield
    }) : () -> ()
    %add3A_176 = arith.constant 9984 : i32
    %add3A_177 = arith.addi %mul3A_2, %add3A_176 : i32
    %dma_wait3A_178 = arith.constant 2 : i32
    %dma_wait3A_179 = arith.constant 0 : i32
    %dma_wait3A_180 = tpu.memref_slice %arg6[%dma_wait3A_178, %dma_wait3A_179] : memref<4x128xi32, #tpu.memory_space<vmem>> -> memref<1x128xi32, #tpu.memory_space<vmem>>
    %dma_wait3A_181 = arith.constant 0 : i32
    %dma_wait3A_182 = tpu.memref_slice %arg3[%dma_wait3A_181, %add3A_177] : memref<2x323584xi32, #tpu.memory_space<hbm>> -> memref<1x128xi32, #tpu.memory_space<hbm>>
    %dma_wait3A_183 = arith.constant 2 : i32
    %dma_wait3A_184 = arith.constant 0 : i32
    %dma_wait3A_185 = tpu.memref_slice %arg6[%dma_wait3A_183, %dma_wait3A_184] : memref<4x128xi32, #tpu.memory_space<vmem>> -> memref<1x128xi32, #tpu.memory_space<vmem>>
    %dma_wait3A_186 = arith.constant 0 : i32
    %dma_wait3A_187 = tpu.memref_slice %arg3[%dma_wait3A_186, %add3A_177] : memref<2x323584xi32, #tpu.memory_space<hbm>> -> memref<1x128xi32, #tpu.memory_space<hbm>>
    tpu.wait_dma2 semaphore(%arg13 : memref<!tpu.dma_semaphore, #tpu.memory_space<semaphore_mem>>) src(%dma_wait3A_187 : memref<1x128xi32, #tpu.memory_space<hbm>>) dst(%dma_wait3A_185 : memref<1x128xi32, #tpu.memory_space<vmem>>)
    %add3A_188 = arith.constant 9984 : i32
    %add3A_189 = arith.addi %mul3A_2, %add3A_188 : i32
    %dma_wait3A_190 = arith.constant 2 : i32
    %dma_wait3A_191 = arith.constant 0 : i32
    %dma_wait3A_192 = tpu.memref_slice %arg7[%dma_wait3A_190, %dma_wait3A_191] : memref<4x128xi32, #tpu.memory_space<vmem>> -> memref<1x128xi32, #tpu.memory_space<vmem>>
    %dma_wait3A_193 = arith.constant 1 : i32
    %dma_wait3A_194 = tpu.memref_slice %arg3[%dma_wait3A_193, %add3A_189] : memref<2x323584xi32, #tpu.memory_space<hbm>> -> memref<1x128xi32, #tpu.memory_space<hbm>>
    %dma_wait3A_195 = arith.constant 2 : i32
    %dma_wait3A_196 = arith.constant 0 : i32
    %dma_wait3A_197 = tpu.memref_slice %arg7[%dma_wait3A_195, %dma_wait3A_196] : memref<4x128xi32, #tpu.memory_space<vmem>> -> memref<1x128xi32, #tpu.memory_space<vmem>>
    %dma_wait3A_198 = arith.constant 1 : i32
    %dma_wait3A_199 = tpu.memref_slice %arg3[%dma_wait3A_198, %add3A_189] : memref<2x323584xi32, #tpu.memory_space<hbm>> -> memref<1x128xi32, #tpu.memory_space<hbm>>
    tpu.wait_dma2 semaphore(%arg13 : memref<!tpu.dma_semaphore, #tpu.memory_space<semaphore_mem>>) src(%dma_wait3A_199 : memref<1x128xi32, #tpu.memory_space<hbm>>) dst(%dma_wait3A_197 : memref<1x128xi32, #tpu.memory_space<vmem>>)
    %dma_start3A_200 = arith.constant 2 : i32
    %dma_start3A_201 = arith.constant 0 : i32
    %dma_start3A_202 = tpu.memref_slice %arg6[%dma_start3A_200, %dma_start3A_201] : memref<4x128xi32, #tpu.memory_space<vmem>> -> memref<1x128xi32, #tpu.memory_space<vmem>>
    %dma_start3A_203 = tpu.memref_squeeze %dma_start3A_202 : memref<1x128xi32, #tpu.memory_space<vmem>> -> memref<128xi32, #tpu.memory_space<vmem>>
    %dma_start3A_204 = arith.constant 0 : i32
    %dma_start3A_205 = arith.constant 0 : i32
    %dma_start3A_206 = tpu.memref_slice %arg2[%dma_start3A_204, %dma_start3A_205] : memref<10000x128xf32, #tpu.memory_space<hbm>> -> memref<10000x128xf32, #tpu.memory_space<hbm>>
    tpu.enqueue_indirect_dma source(%dma_start3A_206 : memref<10000x128xf32, #tpu.memory_space<hbm>>) target(%arg8 : memref<128x128xf32, #tpu.memory_space<vmem>>) offsets(%dma_start3A_203 : memref<128xi32, #tpu.memory_space<vmem>>) semaphore(%arg15 : memref<!tpu.dma_semaphore, #tpu.memory_space<semaphore_mem>>)
    %dma_wait3A_207 = arith.constant 1 : i32
    %dma_wait3A_208 = arith.constant 0 : i32
    %dma_wait3A_209 = tpu.memref_slice %arg6[%dma_wait3A_207, %dma_wait3A_208] : memref<4x128xi32, #tpu.memory_space<vmem>> -> memref<1x128xi32, #tpu.memory_space<vmem>>
    %dma_wait3A_210 = tpu.memref_squeeze %dma_wait3A_209 : memref<1x128xi32, #tpu.memory_space<vmem>> -> memref<128xi32, #tpu.memory_space<vmem>>
    %dma_wait3A_211 = arith.constant 0 : i32
    %dma_wait3A_212 = arith.constant 0 : i32
    %dma_wait3A_213 = tpu.memref_slice %arg2[%dma_wait3A_211, %dma_wait3A_212] : memref<10000x128xf32, #tpu.memory_space<hbm>> -> memref<10000x128xf32, #tpu.memory_space<hbm>>
    tpu.wait_indirect_dma semaphore(%arg16 : memref<!tpu.dma_semaphore, #tpu.memory_space<semaphore_mem>>) src(%dma_wait3A_213 : memref<10000x128xf32, #tpu.memory_space<hbm>>) dst(%arg9 : memref<128x128xf32, #tpu.memory_space<vmem>>)
    %run_scoped3A_214 = arith.constant 1 : i32
    "tpu.region"() ({
      %run_scoped3A_234 = tpu.sem_alloc : memref<!tpu.dma_semaphore, #tpu.memory_space<semaphore_mem>>
      %dma_start3A_235 = arith.constant 0 : i32
      %dma_start3A_236 = tpu.memref_slice %arg7[%run_scoped3A_214, %dma_start3A_235] : memref<4x128xi32, #tpu.memory_space<vmem>> -> memref<1x128xi32, #tpu.memory_space<vmem>>
      %dma_start3A_237 = tpu.memref_squeeze %dma_start3A_236 : memref<1x128xi32, #tpu.memory_space<vmem>> -> memref<128xi32, #tpu.memory_space<vmem>>
      %dma_start3A_238 = arith.constant 0 : i32
      %dma_start3A_239 = arith.constant 0 : i32
      %dma_start3A_240 = tpu.memref_slice %arg10[%dma_start3A_238, %dma_start3A_239] : memref<10240x128xf32, #tpu.memory_space<vmem_shared>> -> memref<10240x128xf32, #tpu.memory_space<vmem_shared>>
      tpu.enqueue_indirect_dma source(%arg9 : memref<128x128xf32, #tpu.memory_space<vmem>>) target(%dma_start3A_240 : memref<10240x128xf32, #tpu.memory_space<vmem_shared>>) offsets(%dma_start3A_237 : memref<128xi32, #tpu.memory_space<vmem>>) semaphore(%run_scoped3A_234 : memref<!tpu.dma_semaphore, #tpu.memory_space<semaphore_mem>>) {add = true}
      %dma_wait3A_241 = arith.constant 0 : i32
      %dma_wait3A_242 = tpu.memref_slice %arg7[%run_scoped3A_214, %dma_wait3A_241] : memref<4x128xi32, #tpu.memory_space<vmem>> -> memref<1x128xi32, #tpu.memory_space<vmem>>
      %dma_wait3A_243 = tpu.memref_squeeze %dma_wait3A_242 : memref<1x128xi32, #tpu.memory_space<vmem>> -> memref<128xi32, #tpu.memory_space<vmem>>
      %dma_wait3A_244 = arith.constant 0 : i32
      %dma_wait3A_245 = arith.constant 0 : i32
      %dma_wait3A_246 = tpu.memref_slice %arg10[%dma_wait3A_244, %dma_wait3A_245] : memref<10240x128xf32, #tpu.memory_space<vmem_shared>> -> memref<10240x128xf32, #tpu.memory_space<vmem_shared>>
      tpu.wait_indirect_dma semaphore(%run_scoped3A_234 : memref<!tpu.dma_semaphore, #tpu.memory_space<semaphore_mem>>) src(%arg9 : memref<128x128xf32, #tpu.memory_space<vmem>>) dst(%dma_wait3A_246 : memref<10240x128xf32, #tpu.memory_space<vmem_shared>>)
      tpu.yield
    }) : () -> ()
    %dma_wait3A_215 = arith.constant 2 : i32
    %dma_wait3A_216 = arith.constant 0 : i32
    %dma_wait3A_217 = tpu.memref_slice %arg6[%dma_wait3A_215, %dma_wait3A_216] : memref<4x128xi32, #tpu.memory_space<vmem>> -> memref<1x128xi32, #tpu.memory_space<vmem>>
    %dma_wait3A_218 = tpu.memref_squeeze %dma_wait3A_217 : memref<1x128xi32, #tpu.memory_space<vmem>> -> memref<128xi32, #tpu.memory_space<vmem>>
    %dma_wait3A_219 = arith.constant 0 : i32
    %dma_wait3A_220 = arith.constant 0 : i32
    %dma_wait3A_221 = tpu.memref_slice %arg2[%dma_wait3A_219, %dma_wait3A_220] : memref<10000x128xf32, #tpu.memory_space<hbm>> -> memref<10000x128xf32, #tpu.memory_space<hbm>>
    tpu.wait_indirect_dma semaphore(%arg15 : memref<!tpu.dma_semaphore, #tpu.memory_space<semaphore_mem>>) src(%dma_wait3A_221 : memref<10000x128xf32, #tpu.memory_space<hbm>>) dst(%arg8 : memref<128x128xf32, #tpu.memory_space<vmem>>)
    %run_scoped3A_222 = arith.constant 2 : i32
    "tpu.region"() ({
      %run_scoped3A_234 = tpu.sem_alloc : memref<!tpu.dma_semaphore, #tpu.memory_space<semaphore_mem>>
      %dma_start3A_235 = arith.constant 0 : i32
      %dma_start3A_236 = tpu.memref_slice %arg7[%run_scoped3A_222, %dma_start3A_235] : memref<4x128xi32, #tpu.memory_space<vmem>> -> memref<1x128xi32, #tpu.memory_space<vmem>>
      %dma_start3A_237 = tpu.memref_squeeze %dma_start3A_236 : memref<1x128xi32, #tpu.memory_space<vmem>> -> memref<128xi32, #tpu.memory_space<vmem>>
      %dma_start3A_238 = arith.constant 0 : i32
      %dma_start3A_239 = arith.constant 0 : i32
      %dma_start3A_240 = tpu.memref_slice %arg10[%dma_start3A_238, %dma_start3A_239] : memref<10240x128xf32, #tpu.memory_space<vmem_shared>> -> memref<10240x128xf32, #tpu.memory_space<vmem_shared>>
      tpu.enqueue_indirect_dma source(%arg8 : memref<128x128xf32, #tpu.memory_space<vmem>>) target(%dma_start3A_240 : memref<10240x128xf32, #tpu.memory_space<vmem_shared>>) offsets(%dma_start3A_237 : memref<128xi32, #tpu.memory_space<vmem>>) semaphore(%run_scoped3A_234 : memref<!tpu.dma_semaphore, #tpu.memory_space<semaphore_mem>>) {add = true}
      %dma_wait3A_241 = arith.constant 0 : i32
      %dma_wait3A_242 = tpu.memref_slice %arg7[%run_scoped3A_222, %dma_wait3A_241] : memref<4x128xi32, #tpu.memory_space<vmem>> -> memref<1x128xi32, #tpu.memory_space<vmem>>
      %dma_wait3A_243 = tpu.memref_squeeze %dma_wait3A_242 : memref<1x128xi32, #tpu.memory_space<vmem>> -> memref<128xi32, #tpu.memory_space<vmem>>
      %dma_wait3A_244 = arith.constant 0 : i32
      %dma_wait3A_245 = arith.constant 0 : i32
      %dma_wait3A_246 = tpu.memref_slice %arg10[%dma_wait3A_244, %dma_wait3A_245] : memref<10240x128xf32, #tpu.memory_space<vmem_shared>> -> memref<10240x128xf32, #tpu.memory_space<vmem_shared>>
      tpu.wait_indirect_dma semaphore(%run_scoped3A_234 : memref<!tpu.dma_semaphore, #tpu.memory_space<semaphore_mem>>) src(%arg8 : memref<128x128xf32, #tpu.memory_space<vmem>>) dst(%dma_wait3A_246 : memref<10240x128xf32, #tpu.memory_space<vmem_shared>>)
      tpu.yield
    }) : () -> ()
    %barrier3A_223 = arith.constant 0 : index
    tpu.barrier barrier_id(%barrier3A_223)
    %lt3A_224 = arith.constant 15 : i32
    %lt3A_225 = arith.cmpi slt, %arg1, %lt3A_224 : i32
    %convert_element_type3A_226 = arith.extui %lt3A_225 : i1 to i32
    %cond3A_227 = arith.constant 0 : i32
    %cond3A_228 = arith.cmpi ne, %convert_element_type3A_226, %cond3A_227 : i32
    scf.if %cond3A_228 {
      %mul3A_234 = arith.constant 624 : i32
      %mul3A_235 = arith.muli %arg1, %mul3A_234 : i32
      %mul3A_236 = arith.constant 624 : i32
      %mul3A_237 = arith.muli %arg1, %mul3A_236 : i32
      "tpu.region"() ({
        %run_scoped3A_238 = tpu.sem_alloc : memref<!tpu.dma_semaphore, #tpu.memory_space<semaphore_mem>>
        %dma_start3A_239 = arith.constant 0 : i32
        %dma_start3A_240 = tpu.memref_slice %arg5[%arg0, %mul3A_237, %dma_start3A_239] : memref<2x10000x128xf32, #tpu.memory_space<hbm>> -> memref<1x624x128xf32, #tpu.memory_space<hbm>>
        %dma_start3A_241 = tpu.memref_squeeze %dma_start3A_240 : memref<1x624x128xf32, #tpu.memory_space<hbm>> -> memref<624x128xf32, #tpu.memory_space<hbm>>
        %dma_start3A_242 = arith.constant 0 : i32
        %dma_start3A_243 = tpu.memref_slice %arg10[%mul3A_235, %dma_start3A_242] : memref<10240x128xf32, #tpu.memory_space<vmem_shared>> -> memref<624x128xf32, #tpu.memory_space<vmem_shared>>
        tpu.enqueue_dma source(%dma_start3A_243 : memref<624x128xf32, #tpu.memory_space<vmem_shared>>) target(%dma_start3A_241 : memref<624x128xf32, #tpu.memory_space<hbm>>) target_semaphore(%run_scoped3A_238 : memref<!tpu.dma_semaphore, #tpu.memory_space<semaphore_mem>>)
        %dma_wait3A_244 = arith.constant 0 : i32
        %dma_wait3A_245 = tpu.memref_slice %arg5[%arg0, %mul3A_237, %dma_wait3A_244] : memref<2x10000x128xf32, #tpu.memory_space<hbm>> -> memref<1x624x128xf32, #tpu.memory_space<hbm>>
        %dma_wait3A_246 = tpu.memref_squeeze %dma_wait3A_245 : memref<1x624x128xf32, #tpu.memory_space<hbm>> -> memref<624x128xf32, #tpu.memory_space<hbm>>
        %dma_wait3A_247 = arith.constant 0 : i32
        %dma_wait3A_248 = tpu.memref_slice %arg10[%mul3A_235, %dma_wait3A_247] : memref<10240x128xf32, #tpu.memory_space<vmem_shared>> -> memref<624x128xf32, #tpu.memory_space<vmem_shared>>
        tpu.wait_dma2 semaphore(%run_scoped3A_238 : memref<!tpu.dma_semaphore, #tpu.memory_space<semaphore_mem>>) src(%dma_wait3A_248 : memref<624x128xf32, #tpu.memory_space<vmem_shared>>) dst(%dma_wait3A_246 : memref<624x128xf32, #tpu.memory_space<hbm>>)
        tpu.yield
      }) : () -> ()
    } else {
    }
    %eq3A_229 = arith.constant 15 : i32
    %eq3A_230 = arith.cmpi eq, %arg1, %eq3A_229 : i32
    %convert_element_type3A_231 = arith.extui %eq3A_230 : i1 to i32
    %cond3A_232 = arith.constant 0 : i32
    %cond3A_233 = arith.cmpi ne, %convert_element_type3A_231, %cond3A_232 : i32
    scf.if %cond3A_233 {
      "tpu.region"() ({
        %run_scoped3A_234 = tpu.sem_alloc : memref<!tpu.dma_semaphore, #tpu.memory_space<semaphore_mem>>
        %dma_start3A_235 = arith.constant 9360 : i32
        %dma_start3A_236 = arith.constant 0 : i32
        %dma_start3A_237 = tpu.memref_slice %arg5[%arg0, %dma_start3A_235, %dma_start3A_236] : memref<2x10000x128xf32, #tpu.memory_space<hbm>> -> memref<1x640x128xf32, #tpu.memory_space<hbm>>
        %dma_start3A_238 = tpu.memref_squeeze %dma_start3A_237 : memref<1x640x128xf32, #tpu.memory_space<hbm>> -> memref<640x128xf32, #tpu.memory_space<hbm>>
        %dma_start3A_239 = arith.constant 9360 : i32
        %dma_start3A_240 = arith.constant 0 : i32
        %dma_start3A_241 = tpu.memref_slice %arg10[%dma_start3A_239, %dma_start3A_240] : memref<10240x128xf32, #tpu.memory_space<vmem_shared>> -> memref<640x128xf32, #tpu.memory_space<vmem_shared>>
        tpu.enqueue_dma source(%dma_start3A_241 : memref<640x128xf32, #tpu.memory_space<vmem_shared>>) target(%dma_start3A_238 : memref<640x128xf32, #tpu.memory_space<hbm>>) target_semaphore(%run_scoped3A_234 : memref<!tpu.dma_semaphore, #tpu.memory_space<semaphore_mem>>)
        %dma_wait3A_242 = arith.constant 9360 : i32
        %dma_wait3A_243 = arith.constant 0 : i32
        %dma_wait3A_244 = tpu.memref_slice %arg5[%arg0, %dma_wait3A_242, %dma_wait3A_243] : memref<2x10000x128xf32, #tpu.memory_space<hbm>> -> memref<1x640x128xf32, #tpu.memory_space<hbm>>
        %dma_wait3A_245 = tpu.memref_squeeze %dma_wait3A_244 : memref<1x640x128xf32, #tpu.memory_space<hbm>> -> memref<640x128xf32, #tpu.memory_space<hbm>>
        %dma_wait3A_246 = arith.constant 9360 : i32
        %dma_wait3A_247 = arith.constant 0 : i32
        %dma_wait3A_248 = tpu.memref_slice %arg10[%dma_wait3A_246, %dma_wait3A_247] : memref<10240x128xf32, #tpu.memory_space<vmem_shared>> -> memref<640x128xf32, #tpu.memory_space<vmem_shared>>
        tpu.wait_dma2 semaphore(%run_scoped3A_234 : memref<!tpu.dma_semaphore, #tpu.memory_space<semaphore_mem>>) src(%dma_wait3A_248 : memref<640x128xf32, #tpu.memory_space<vmem_shared>>) dst(%dma_wait3A_245 : memref<640x128xf32, #tpu.memory_space<hbm>>)
        tpu.yield
      }) : () -> ()
    } else {
    }
    return
  }
}

#map = affine_map<(d0, d1) -> (0, 0)>
#map1 = affine_map<(d0, d1) -> (0)>
module attributes {stable_mosaic.version = 14 : i64} {
  func.func @_deg_body(%arg0: i32, %arg1: i32, %arg2: memref<2x323584xi32, #tpu.memory_space<hbm>>, %arg3: memref<128xf32, #tpu.memory_space<hbm>>, %arg4: memref<10240xf32, #tpu.memory_space<hbm>>, %arg5: memref<2x10240xf32, #tpu.memory_space<hbm>>, %arg6: memref<79x128xi32, #tpu.memory_space<vmem>>, %arg7: memref<128xf32, #tpu.memory_space<vmem>>, %arg8: memref<10240xf32, #tpu.memory_space<vmem_shared>>, %arg9: memref<!tpu.dma_semaphore, #tpu.memory_space<semaphore_mem>>, %arg10: memref<!tpu.dma_semaphore, #tpu.memory_space<semaphore_mem>>) attributes {dimension_semantics = [#tpu.dimension_semantics<core_parallel>, #tpu.dimension_semantics<subcore_parallel>], iteration_bounds = array<i64: 2, 16>, scalar_prefetch = 0 : i64, scratch_operands = 5 : i64, tpu.core_type = #tpu.core_type<sc_vector_subcore>, window_params = [{transform_indices = #map}, {transform_indices = #map1}, {transform_indices = #map1}, {transform_indices = #map}]} {
    %mul3A = arith.constant 2 : i32
    %mul3A_0 = arith.muli %arg1, %mul3A : i32
    %add3A = arith.addi %mul3A_0, %arg0 : i32
    %mul3A_1 = arith.constant 10112 : i32
    %mul3A_2 = arith.muli %add3A, %mul3A_1 : i32
    %eq3A = arith.constant 0 : i32
    %eq3A_3 = arith.cmpi eq, %arg1, %eq3A : i32
    %convert_element_type3A = arith.extui %eq3A_3 : i1 to i32
    %cond3A = arith.constant 0 : i32
    %cond3A_4 = arith.cmpi ne, %convert_element_type3A, %cond3A : i32
    scf.if %cond3A_4 {
      "tpu.region"() ({
        %run_scoped3A = tpu.sem_alloc : memref<!tpu.dma_semaphore, #tpu.memory_space<semaphore_mem>>
        tpu.enqueue_dma source(%arg4 : memref<10240xf32, #tpu.memory_space<hbm>>) target(%arg8 : memref<10240xf32, #tpu.memory_space<vmem_shared>>) target_semaphore(%run_scoped3A : memref<!tpu.dma_semaphore, #tpu.memory_space<semaphore_mem>>)
        tpu.wait_dma2 semaphore(%run_scoped3A : memref<!tpu.dma_semaphore, #tpu.memory_space<semaphore_mem>>) src(%arg4 : memref<10240xf32, #tpu.memory_space<hbm>>) dst(%arg8 : memref<10240xf32, #tpu.memory_space<vmem_shared>>)
        tpu.yield
      }) : () -> ()
    } else {
    }
    "tpu.region"() ({
      %run_scoped3A = tpu.sem_alloc : memref<!tpu.dma_semaphore, #tpu.memory_space<semaphore_mem>>
      tpu.enqueue_dma source(%arg3 : memref<128xf32, #tpu.memory_space<hbm>>) target(%arg7 : memref<128xf32, #tpu.memory_space<vmem>>) target_semaphore(%run_scoped3A : memref<!tpu.dma_semaphore, #tpu.memory_space<semaphore_mem>>)
      tpu.wait_dma2 semaphore(%run_scoped3A : memref<!tpu.dma_semaphore, #tpu.memory_space<semaphore_mem>>) src(%arg3 : memref<128xf32, #tpu.memory_space<hbm>>) dst(%arg7 : memref<128xf32, #tpu.memory_space<vmem>>)
      tpu.yield
    }) : () -> ()
    %scan3A = arith.constant 0 : i32
    %scan3A_5 = arith.constant 8 : i32
    %scan3A_6 = arith.addi %scan3A, %scan3A_5 : i32
    %scan3A_7 = arith.constant 1 : i32
    scf.for %scan3A_25 = %scan3A to %scan3A_6 step %scan3A_7  : i32 {
      %mul3A_26 = arith.constant 1 : i32
      %mul3A_27 = arith.muli %scan3A_25, %mul3A_26 : i32
      %add3A_28 = arith.constant 0 : i32
      %add3A_29 = arith.addi %add3A_28, %mul3A_27 : i32
      %mul3A_30 = arith.constant 128 : i32
      %mul3A_31 = arith.muli %add3A_29, %mul3A_30 : i32
      %add3A_32 = arith.addi %mul3A_2, %mul3A_31 : i32
      %dma_start3A = arith.constant 0 : i32
      %dma_start3A_33 = tpu.memref_slice %arg6[%add3A_29, %dma_start3A] : memref<79x128xi32, #tpu.memory_space<vmem>> -> memref<1x128xi32, #tpu.memory_space<vmem>>
      %dma_start3A_34 = arith.constant 1 : i32
      %dma_start3A_35 = tpu.memref_slice %arg2[%dma_start3A_34, %add3A_32] : memref<2x323584xi32, #tpu.memory_space<hbm>> -> memref<1x128xi32, #tpu.memory_space<hbm>>
      %dma_start3A_36 = arith.constant 0 : i32
      %dma_start3A_37 = tpu.memref_slice %arg6[%add3A_29, %dma_start3A_36] : memref<79x128xi32, #tpu.memory_space<vmem>> -> memref<1x128xi32, #tpu.memory_space<vmem>>
      %dma_start3A_38 = arith.constant 1 : i32
      %dma_start3A_39 = tpu.memref_slice %arg2[%dma_start3A_38, %add3A_32] : memref<2x323584xi32, #tpu.memory_space<hbm>> -> memref<1x128xi32, #tpu.memory_space<hbm>>
      tpu.enqueue_dma source(%dma_start3A_39 : memref<1x128xi32, #tpu.memory_space<hbm>>) target(%dma_start3A_37 : memref<1x128xi32, #tpu.memory_space<vmem>>) target_semaphore(%arg10 : memref<!tpu.dma_semaphore, #tpu.memory_space<semaphore_mem>>)
    }
    %scan3A_8 = arith.constant 8 : i32
    %barrier3A = arith.constant 0 : index
    tpu.barrier barrier_id(%barrier3A)
    %scan3A_9 = arith.constant 0 : i32
    %scan3A_10 = arith.constant 79 : i32
    %scan3A_11 = arith.addi %scan3A_9, %scan3A_10 : i32
    %scan3A_12 = arith.constant 1 : i32
    scf.for %scan3A_25 = %scan3A_9 to %scan3A_11 step %scan3A_12  : i32 {
      %mul3A_26 = arith.constant 1 : i32
      %mul3A_27 = arith.muli %scan3A_25, %mul3A_26 : i32
      %add3A_28 = arith.constant 0 : i32
      %add3A_29 = arith.addi %add3A_28, %mul3A_27 : i32
      %add3A_30 = arith.constant 8 : i32
      %add3A_31 = arith.addi %add3A_29, %add3A_30 : i32
      %lt3A = arith.constant 79 : i32
      %lt3A_32 = arith.cmpi slt, %add3A_31, %lt3A : i32
      %convert_element_type3A_33 = arith.extui %lt3A_32 : i1 to i32
      %cond3A_34 = arith.constant 0 : i32
      %cond3A_35 = arith.cmpi ne, %convert_element_type3A_33, %cond3A_34 : i32
      scf.if %cond3A_35 {
        %add3A_54 = arith.constant 8 : i32
        %add3A_55 = arith.addi %add3A_29, %add3A_54 : i32
        %mul3A_56 = arith.constant 128 : i32
        %mul3A_57 = arith.muli %add3A_55, %mul3A_56 : i32
        %add3A_58 = arith.addi %mul3A_2, %mul3A_57 : i32
        %dma_start3A_59 = arith.constant 0 : i32
        %dma_start3A_60 = tpu.memref_slice %arg6[%add3A_55, %dma_start3A_59] : memref<79x128xi32, #tpu.memory_space<vmem>> -> memref<1x128xi32, #tpu.memory_space<vmem>>
        %dma_start3A_61 = arith.constant 1 : i32
        %dma_start3A_62 = tpu.memref_slice %arg2[%dma_start3A_61, %add3A_58] : memref<2x323584xi32, #tpu.memory_space<hbm>> -> memref<1x128xi32, #tpu.memory_space<hbm>>
        %dma_start3A_63 = arith.constant 0 : i32
        %dma_start3A_64 = tpu.memref_slice %arg6[%add3A_55, %dma_start3A_63] : memref<79x128xi32, #tpu.memory_space<vmem>> -> memref<1x128xi32, #tpu.memory_space<vmem>>
        %dma_start3A_65 = arith.constant 1 : i32
        %dma_start3A_66 = tpu.memref_slice %arg2[%dma_start3A_65, %add3A_58] : memref<2x323584xi32, #tpu.memory_space<hbm>> -> memref<1x128xi32, #tpu.memory_space<hbm>>
        tpu.enqueue_dma source(%dma_start3A_66 : memref<1x128xi32, #tpu.memory_space<hbm>>) target(%dma_start3A_64 : memref<1x128xi32, #tpu.memory_space<vmem>>) target_semaphore(%arg10 : memref<!tpu.dma_semaphore, #tpu.memory_space<semaphore_mem>>)
      } else {
      }
      %mul3A_36 = arith.constant 128 : i32
      %mul3A_37 = arith.muli %add3A_29, %mul3A_36 : i32
      %add3A_38 = arith.addi %mul3A_2, %mul3A_37 : i32
      %dma_wait3A = arith.constant 0 : i32
      %dma_wait3A_39 = tpu.memref_slice %arg6[%add3A_29, %dma_wait3A] : memref<79x128xi32, #tpu.memory_space<vmem>> -> memref<1x128xi32, #tpu.memory_space<vmem>>
      %dma_wait3A_40 = arith.constant 1 : i32
      %dma_wait3A_41 = tpu.memref_slice %arg2[%dma_wait3A_40, %add3A_38] : memref<2x323584xi32, #tpu.memory_space<hbm>> -> memref<1x128xi32, #tpu.memory_space<hbm>>
      %dma_wait3A_42 = arith.constant 0 : i32
      %dma_wait3A_43 = tpu.memref_slice %arg6[%add3A_29, %dma_wait3A_42] : memref<79x128xi32, #tpu.memory_space<vmem>> -> memref<1x128xi32, #tpu.memory_space<vmem>>
      %dma_wait3A_44 = arith.constant 1 : i32
      %dma_wait3A_45 = tpu.memref_slice %arg2[%dma_wait3A_44, %add3A_38] : memref<2x323584xi32, #tpu.memory_space<hbm>> -> memref<1x128xi32, #tpu.memory_space<hbm>>
      tpu.wait_dma2 semaphore(%arg10 : memref<!tpu.dma_semaphore, #tpu.memory_space<semaphore_mem>>) src(%dma_wait3A_45 : memref<1x128xi32, #tpu.memory_space<hbm>>) dst(%dma_wait3A_43 : memref<1x128xi32, #tpu.memory_space<vmem>>)
      %dma_start3A = arith.constant 0 : i32
      %dma_start3A_46 = tpu.memref_slice %arg6[%add3A_29, %dma_start3A] : memref<79x128xi32, #tpu.memory_space<vmem>> -> memref<1x128xi32, #tpu.memory_space<vmem>>
      %dma_start3A_47 = tpu.memref_squeeze %dma_start3A_46 : memref<1x128xi32, #tpu.memory_space<vmem>> -> memref<128xi32, #tpu.memory_space<vmem>>
      %dma_start3A_48 = arith.constant 0 : i32
      %dma_start3A_49 = tpu.memref_slice %arg8[%dma_start3A_48] : memref<10240xf32, #tpu.memory_space<vmem_shared>> -> memref<10240xf32, #tpu.memory_space<vmem_shared>>
      tpu.enqueue_indirect_dma source(%arg7 : memref<128xf32, #tpu.memory_space<vmem>>) target(%dma_start3A_49 : memref<10240xf32, #tpu.memory_space<vmem_shared>>) offsets(%dma_start3A_47 : memref<128xi32, #tpu.memory_space<vmem>>) semaphore(%arg9 : memref<!tpu.dma_semaphore, #tpu.memory_space<semaphore_mem>>) {add = true}
      %ge3A = arith.constant 4 : i32
      %ge3A_50 = arith.cmpi sge, %add3A_29, %ge3A : i32
      %convert_element_type3A_51 = arith.extui %ge3A_50 : i1 to i32
      %cond3A_52 = arith.constant 0 : i32
      %cond3A_53 = arith.cmpi ne, %convert_element_type3A_51, %cond3A_52 : i32
      scf.if %cond3A_53 {
        %sub3A = arith.constant 4 : i32
        %sub3A_54 = arith.subi %add3A_29, %sub3A : i32
        %dma_wait3A_55 = arith.constant 0 : i32
        %dma_wait3A_56 = tpu.memref_slice %arg6[%sub3A_54, %dma_wait3A_55] : memref<79x128xi32, #tpu.memory_space<vmem>> -> memref<1x128xi32, #tpu.memory_space<vmem>>
        %dma_wait3A_57 = tpu.memref_squeeze %dma_wait3A_56 : memref<1x128xi32, #tpu.memory_space<vmem>> -> memref<128xi32, #tpu.memory_space<vmem>>
        %dma_wait3A_58 = arith.constant 0 : i32
        %dma_wait3A_59 = tpu.memref_slice %arg8[%dma_wait3A_58] : memref<10240xf32, #tpu.memory_space<vmem_shared>> -> memref<10240xf32, #tpu.memory_space<vmem_shared>>
        tpu.wait_indirect_dma semaphore(%arg9 : memref<!tpu.dma_semaphore, #tpu.memory_space<semaphore_mem>>) src(%arg7 : memref<128xf32, #tpu.memory_space<vmem>>) dst(%dma_wait3A_59 : memref<10240xf32, #tpu.memory_space<vmem_shared>>)
      } else {
      }
    }
    %scan3A_13 = arith.constant 79 : i32
    %scan3A_14 = arith.constant 0 : i32
    %scan3A_15 = arith.constant 4 : i32
    %scan3A_16 = arith.addi %scan3A_14, %scan3A_15 : i32
    %scan3A_17 = arith.constant 1 : i32
    scf.for %scan3A_25 = %scan3A_14 to %scan3A_16 step %scan3A_17  : i32 {
      %mul3A_26 = arith.constant 1 : i32
      %mul3A_27 = arith.muli %scan3A_25, %mul3A_26 : i32
      %add3A_28 = arith.constant 75 : i32
      %add3A_29 = arith.addi %add3A_28, %mul3A_27 : i32
      %dma_wait3A = arith.constant 0 : i32
      %dma_wait3A_30 = tpu.memref_slice %arg6[%add3A_29, %dma_wait3A] : memref<79x128xi32, #tpu.memory_space<vmem>> -> memref<1x128xi32, #tpu.memory_space<vmem>>
      %dma_wait3A_31 = tpu.memref_squeeze %dma_wait3A_30 : memref<1x128xi32, #tpu.memory_space<vmem>> -> memref<128xi32, #tpu.memory_space<vmem>>
      %dma_wait3A_32 = arith.constant 0 : i32
      %dma_wait3A_33 = tpu.memref_slice %arg8[%dma_wait3A_32] : memref<10240xf32, #tpu.memory_space<vmem_shared>> -> memref<10240xf32, #tpu.memory_space<vmem_shared>>
      tpu.wait_indirect_dma semaphore(%arg9 : memref<!tpu.dma_semaphore, #tpu.memory_space<semaphore_mem>>) src(%arg7 : memref<128xf32, #tpu.memory_space<vmem>>) dst(%dma_wait3A_33 : memref<10240xf32, #tpu.memory_space<vmem_shared>>)
    }
    %scan3A_18 = arith.constant 4 : i32
    %barrier3A_19 = arith.constant 0 : index
    tpu.barrier barrier_id(%barrier3A_19)
    %eq3A_20 = arith.constant 0 : i32
    %eq3A_21 = arith.cmpi eq, %arg1, %eq3A_20 : i32
    %convert_element_type3A_22 = arith.extui %eq3A_21 : i1 to i32
    %cond3A_23 = arith.constant 0 : i32
    %cond3A_24 = arith.cmpi ne, %convert_element_type3A_22, %cond3A_23 : i32
    scf.if %cond3A_24 {
      "tpu.region"() ({
        %run_scoped3A = tpu.sem_alloc : memref<!tpu.dma_semaphore, #tpu.memory_space<semaphore_mem>>
        %dma_start3A = arith.constant 0 : i32
        %dma_start3A_25 = tpu.memref_slice %arg5[%arg0, %dma_start3A] : memref<2x10240xf32, #tpu.memory_space<hbm>> -> memref<1x10240xf32, #tpu.memory_space<hbm>>
        %dma_start3A_26 = tpu.memref_squeeze %dma_start3A_25 : memref<1x10240xf32, #tpu.memory_space<hbm>> -> memref<10240xf32, #tpu.memory_space<hbm>>
        tpu.enqueue_dma source(%arg8 : memref<10240xf32, #tpu.memory_space<vmem_shared>>) target(%dma_start3A_26 : memref<10240xf32, #tpu.memory_space<hbm>>) target_semaphore(%run_scoped3A : memref<!tpu.dma_semaphore, #tpu.memory_space<semaphore_mem>>)
        %dma_wait3A = arith.constant 0 : i32
        %dma_wait3A_27 = tpu.memref_slice %arg5[%arg0, %dma_wait3A] : memref<2x10240xf32, #tpu.memory_space<hbm>> -> memref<1x10240xf32, #tpu.memory_space<hbm>>
        %dma_wait3A_28 = tpu.memref_squeeze %dma_wait3A_27 : memref<1x10240xf32, #tpu.memory_space<hbm>> -> memref<10240xf32, #tpu.memory_space<hbm>>
        tpu.wait_dma2 semaphore(%run_scoped3A : memref<!tpu.dma_semaphore, #tpu.memory_space<semaphore_mem>>) src(%arg8 : memref<10240xf32, #tpu.memory_space<vmem_shared>>) dst(%dma_wait3A_28 : memref<10240xf32, #tpu.memory_space<hbm>>)
        tpu.yield
      }) : () -> ()
    } else {
    }
    return
  }
}

module attributes {stable_mosaic.version = 14 : i64} {
  func.func @_lin_body(%arg0: i32, %arg1: memref<2x2048xf32, #tpu.memory_space<vmem>>, %arg2: memref<2048x128xf32, #tpu.memory_space<vmem>>, %arg3: memref<128x128xf32, #tpu.memory_space<vmem>>, %arg4: memref<2048x128xf32, #tpu.memory_space<vmem>>) attributes {dimension_semantics = [#tpu.dimension_semantics<arbitrary>], iteration_bounds = array<i64: 5>, scalar_prefetch = 0 : i64, scratch_operands = 0 : i64, tpu.core_type = #tpu.core_type<tc>, window_params = [{transform_indices = @transform_0, window_bounds = array<i64: 2, 2048>}, {transform_indices = @transform_1, window_bounds = array<i64: 2048, 128>}, {pipeline_mode = #tpu.pipeline_mode<synchronous>, transform_indices = @transform_2, window_bounds = array<i64: 128, 128>}, {transform_indices = @transform_3, window_bounds = array<i64: 2048, 128>}]} {
    %get3A = arith.constant 0 : index
    %get3A_0 = arith.constant 0 : index
    %get3A_1 = vector.load %arg1[%get3A, %get3A_0] : memref<2x2048xf32, #tpu.memory_space<vmem>>, vector<2x2048xf32>
    %slice3A = vector.extract_strided_slice %get3A_1 {offsets = [0, 0], sizes = [1, 2048], strides = [1, 1]} : vector<2x2048xf32> to vector<1x2048xf32>
    %squeeze3A = vector.shape_cast %slice3A : vector<1x2048xf32> to vector<2048xf32>
    %slice3A_2 = vector.extract_strided_slice %get3A_1 {offsets = [1, 0], sizes = [1, 2048], strides = [1, 1]} : vector<2x2048xf32> to vector<1x2048xf32>
    %squeeze3A_3 = vector.shape_cast %slice3A_2 : vector<1x2048xf32> to vector<2048xf32>
    %add3A = arith.addf %squeeze3A, %squeeze3A_3 : vector<2048xf32>
    %add3A_4 = arith.constant 1.000000e+00 : f32
    %add3A_5 = vector.broadcast %add3A_4 : f32 to vector<2048xf32>
    %add3A_6 = arith.addf %add3A, %add3A_5 : vector<2048xf32>
    %rsqrt3A = math.rsqrt %add3A_6 : vector<2048xf32>
    %get3A_7 = arith.constant 0 : index
    %get3A_8 = arith.constant 0 : index
    %get3A_9 = vector.load %arg2[%get3A_7, %get3A_8] : memref<2048x128xf32, #tpu.memory_space<vmem>>, vector<2048x128xf32>
    %get3A_10 = arith.constant 0 : index
    %get3A_11 = arith.constant 0 : index
    %get3A_12 = vector.load %arg3[%get3A_10, %get3A_11] : memref<128x128xf32, #tpu.memory_space<vmem>>, vector<128x128xf32>
    %dot_general3A = arith.constant dense<0.000000e+00> : vector<2048x128xf32>
    %dot_general3A_13 = tpu.matmul %get3A_9, %get3A_12, %dot_general3A {dimension_numbers = #tpu.dot_dimension_numbers<[1], [0], [0], [1], [0, 0, 1, 1], [], []>, transpose_lhs_hint = false} : vector<2048x128xf32>, vector<128x128xf32>, vector<2048x128xf32> -> vector<2048x128xf32>
    %broadcast_in_dim3A = vector.shape_cast %rsqrt3A : vector<2048xf32> to vector<2048x1xf32>
    %mul3A = vector.broadcast %broadcast_in_dim3A : vector<2048x1xf32> to vector<2048x128xf32>
    %mul3A_14 = arith.mulf %dot_general3A_13, %mul3A : vector<2048x128xf32>
    %swap3A = arith.constant 0 : index
    %swap3A_15 = arith.constant 0 : index
    %swap3A_16 = vector.load %arg4[%swap3A, %swap3A_15] : memref<2048x128xf32, #tpu.memory_space<vmem>>, vector<2048x128xf32>
    tpu.vector_store %arg4[%swap3A, %swap3A_15], %mul3A_14 {strides = array<i32>} : memref<2048x128xf32, #tpu.memory_space<vmem>>, vector<2048x128xf32>,
    return
  }
  func.func @transform_0(%arg0: i32) -> (i32, i32) {
    %c0_i32 = arith.constant 0 : i32
    %c0_i32_0 = arith.constant 0 : i32
    return %c0_i32, %arg0 : i32, i32
  }
  func.func @transform_1(%arg0: i32) -> (i32, i32) {
    %c0_i32 = arith.constant 0 : i32
    %c0_i32_0 = arith.constant 0 : i32
    return %arg0, %c0_i32 : i32, i32
  }
  func.func @transform_2(%arg0: i32) -> (i32, i32) {
    %c0_i32 = arith.constant 0 : i32
    %c0_i32_0 = arith.constant 0 : i32
    %c0_i32_1 = arith.constant 0 : i32
    return %c0_i32, %c0_i32_0 : i32, i32
  }
  func.func @transform_3(%arg0: i32) -> (i32, i32) {
    %c0_i32 = arith.constant 0 : i32
    %c0_i32_0 = arith.constant 0 : i32
    return %arg0, %c0_i32 : i32, i32
  }
}

module attributes {stable_mosaic.version = 14 : i64} {
  func.func @_fin_body(%arg0: i32, %arg1: memref<2x2048xf32, #tpu.memory_space<vmem>>, %arg2: memref<2x2048x128xf32, #tpu.memory_space<vmem>>, %arg3: memref<2048x128xf32, #tpu.memory_space<vmem>>, %arg4: memref<1x128xf32, #tpu.memory_space<vmem>>, %arg5: memref<2048x128xf32, #tpu.memory_space<vmem>>) attributes {dimension_semantics = [#tpu.dimension_semantics<arbitrary>], iteration_bounds = array<i64: 5>, scalar_prefetch = 0 : i64, scratch_operands = 0 : i64, tpu.core_type = #tpu.core_type<tc>, window_params = [{transform_indices = @transform_0, window_bounds = array<i64: 2, 2048>}, {transform_indices = @transform_1, window_bounds = array<i64: 2, 2048, 128>}, {transform_indices = @transform_2, window_bounds = array<i64: 2048, 128>}, {pipeline_mode = #tpu.pipeline_mode<synchronous>, transform_indices = @transform_3, window_bounds = array<i64: 1, 128>}, {transform_indices = @transform_4, window_bounds = array<i64: 2048, 128>}]} {
    %get3A = arith.constant 0 : index
    %get3A_0 = arith.constant 0 : index
    %get3A_1 = vector.load %arg1[%get3A, %get3A_0] : memref<2x2048xf32, #tpu.memory_space<vmem>>, vector<2x2048xf32>
    %slice3A = vector.extract_strided_slice %get3A_1 {offsets = [0, 0], sizes = [1, 2048], strides = [1, 1]} : vector<2x2048xf32> to vector<1x2048xf32>
    %squeeze3A = vector.shape_cast %slice3A : vector<1x2048xf32> to vector<2048xf32>
    %slice3A_2 = vector.extract_strided_slice %get3A_1 {offsets = [1, 0], sizes = [1, 2048], strides = [1, 1]} : vector<2x2048xf32> to vector<1x2048xf32>
    %squeeze3A_3 = vector.shape_cast %slice3A_2 : vector<1x2048xf32> to vector<2048xf32>
    %add3A = arith.addf %squeeze3A, %squeeze3A_3 : vector<2048xf32>
    %add3A_4 = arith.constant 1.000000e+00 : f32
    %add3A_5 = vector.broadcast %add3A_4 : f32 to vector<2048xf32>
    %add3A_6 = arith.addf %add3A, %add3A_5 : vector<2048xf32>
    %rsqrt3A = math.rsqrt %add3A_6 : vector<2048xf32>
    %get3A_7 = arith.constant 0 : index
    %get3A_8 = arith.constant 0 : index
    %get3A_9 = arith.constant 0 : index
    %get3A_10 = vector.load %arg2[%get3A_7, %get3A_8, %get3A_9] : memref<2x2048x128xf32, #tpu.memory_space<vmem>>, vector<1x2048x128xf32>
    %get3A_11 = vector.shape_cast %get3A_10 : vector<1x2048x128xf32> to vector<2048x128xf32>
    %get3A_12 = arith.constant 1 : index
    %get3A_13 = arith.constant 0 : index
    %get3A_14 = arith.constant 0 : index
    %get3A_15 = vector.load %arg2[%get3A_12, %get3A_13, %get3A_14] : memref<2x2048x128xf32, #tpu.memory_space<vmem>>, vector<1x2048x128xf32>
    %get3A_16 = vector.shape_cast %get3A_15 : vector<1x2048x128xf32> to vector<2048x128xf32>
    %add3A_17 = arith.addf %get3A_11, %get3A_16 : vector<2048x128xf32>
    %get3A_18 = arith.constant 0 : index
    %get3A_19 = arith.constant 0 : index
    %get3A_20 = vector.load %arg3[%get3A_18, %get3A_19] : memref<2048x128xf32, #tpu.memory_space<vmem>>, vector<2048x128xf32>
    %add3A_21 = arith.addf %add3A_17, %get3A_20 : vector<2048x128xf32>
    %broadcast_in_dim3A = vector.shape_cast %rsqrt3A : vector<2048xf32> to vector<2048x1xf32>
    %mul3A = vector.broadcast %broadcast_in_dim3A : vector<2048x1xf32> to vector<2048x128xf32>
    %mul3A_22 = arith.mulf %add3A_21, %mul3A : vector<2048x128xf32>
    %get3A_23 = arith.constant 0 : index
    %get3A_24 = arith.constant 0 : index
    %get3A_25 = vector.load %arg4[%get3A_23, %get3A_24] : memref<1x128xf32, #tpu.memory_space<vmem>>, vector<1x128xf32>
    %add3A_26 = vector.broadcast %get3A_25 : vector<1x128xf32> to vector<2048x128xf32>
    %add3A_27 = arith.addf %mul3A_22, %add3A_26 : vector<2048x128xf32>
    %max3A = arith.constant 0.000000e+00 : f32
    %max3A_28 = vector.broadcast %max3A : f32 to vector<2048x128xf32>
    %max3A_29 = arith.maximumf %add3A_27, %max3A_28 : vector<2048x128xf32>
    %swap3A = arith.constant 0 : index
    %swap3A_30 = arith.constant 0 : index
    %swap3A_31 = vector.load %arg5[%swap3A, %swap3A_30] : memref<2048x128xf32, #tpu.memory_space<vmem>>, vector<2048x128xf32>
    tpu.vector_store %arg5[%swap3A, %swap3A_30], %max3A_29 {strides = array<i32>} : memref<2048x128xf32, #tpu.memory_space<vmem>>, vector<2048x128xf32>,
    return
  }
  func.func @transform_0(%arg0: i32) -> (i32, i32) {
    %c0_i32 = arith.constant 0 : i32
    %c0_i32_0 = arith.constant 0 : i32
    return %c0_i32, %arg0 : i32, i32
  }
  func.func @transform_1(%arg0: i32) -> (i32, i32, i32) {
    %c0_i32 = arith.constant 0 : i32
    %c0_i32_0 = arith.constant 0 : i32
    %c0_i32_1 = arith.constant 0 : i32
    return %c0_i32, %arg0, %c0_i32_0 : i32, i32, i32
  }
  func.func @transform_2(%arg0: i32) -> (i32, i32) {
    %c0_i32 = arith.constant 0 : i32
    %c0_i32_0 = arith.constant 0 : i32
    return %arg0, %c0_i32 : i32, i32
  }
  func.func @transform_3(%arg0: i32) -> (i32, i32) {
    %c0_i32 = arith.constant 0 : i32
    %c0_i32_0 = arith.constant 0 : i32
    %c0_i32_1 = arith.constant 0 : i32
    return %c0_i32, %c0_i32_0 : i32, i32
  }
  func.func @transform_4(%arg0: i32) -> (i32, i32) {
    %c0_i32 = arith.constant 0 : i32
    %c0_i32_0 = arith.constant 0 : i32
    return %arg0, %c0_i32 : i32, i32
  }
}

</mosaic_0001>

<sc_bundles>
// kernel: kernel.6.cloned.1.call-start
scs
__scs_entry_jumppad:
0x0: {  	(pc) =	sbr.rel $0x88, $3  }
0x1: {  	(tag) =	ssettag $0x0;
	lr =	simm.s32 $0x1  }
0x2: {  	[smem:$0x3F9D] =	sst lr;
	_ =	strace $0xD0000000  }
0x3: {  	_ = 	snop  }
0x4: {  	_ = 	snop  }
0x5: {  	_ = 	snop  }
0x6: {  	_ = 	snop  }
0x7: {  	_ = 	snop  }
__scs_overlays_trampoline_lowered:
0x8: {  	[smem:$0x3FAC] =	sst s0  }
0x9: {  	[smem:$0x3FAD] =	sst s1  }
0xa: {  	[smem:$0x3FAE] =	sst s2  }
0xb: {  	[smem:$0x3FAF] =	sst s3  }
0xc: {  	[smem:$0x3FB0] =	sst s4  }
0xd: {  	[smem:$0x3FB1] =	sst s5  }
0xe: {  	[smem:$0x3FB2] =	sst s6  }
0xf: {  	[smem:$0x3FB3] =	sst s7  }
0x10: {  	[smem:$0x3FB4] =	sst s8  }
0x11: {  	[smem:$0x3FB5] =	sst s9;
	s0 =	simm.s32 @!p0 $0x0  }
0x12: {  	s1 =	sld [smem:$0x3F9B];
	s0 =	simm.s32 @p0 $0x1  }
0x13: {  	[smem:$0x3FB6] =	sst s0;
	s0 =	simm.s32 @!p1 $0x0  }
0x14: {  	s2 =	sld [smem:$0x3F9A];
	s0 =	simm.s32 @p1 $0x1  }
0x15: {  	[smem:$0x3FB7] =	sst s0;
	s0 =	simm.s32 @!p2 $0x0  }
0x16: {  	s3 =	sld [smem:$0x3FDB];
	s0 =	simm.s32 @p2 $0x1  }
0x17: {  	s4 =	simm.s32 $0x1BF5;
	[smem:$0x3FB9] =	sst s0  }
0x18: {  	s0 =	sld [smem:$0x3F9C];
	_ =	swait.ge [sflag:s4], $0x0  }
0x19: {  	s7 =	sld [smem:$0x3F9D]  }
0x1a: {  	s8 =	sadd.s32 $0xFFFFE003, lr  }
0x1b: {  	s9 =	sadd.s32 $0xFFFFFEF7, lr;
	s5 =	simm.s32 $0xFFFFFFFF;
	p2 =	slt.u32 s8, $0xFFFFF086  }
0x1c: {  	p1 =	slt.u32 s9, $0xF7A;
	s5 =	simm.s32 @!p2 $0x0  }
0x1d: {  	s5 =	simm.s32 @p1 $0x1;
	p0 =	seq.s32 s7, s2  }
0x1e: {  	s7 =	smul.u32 @!p0 $0xF7A, s2;
	p2 =	seq.s32 @!p0 s5, $0x0  }
0x1f: {  	s9 =	smul.u32 $0xF7A, s1;
	s8 =	simm.s32 @!p0 $0x1BF5;
	p2 =	por !p2, p0  }
0x20: {  	[sflag:s8] =	ssyncset.s32 @!p0 $0xFFFFF086;
	s6 =	sadd.s32 @!p0 s3, s7;
	s7 =	simm.s32 @!p0 $0x108  }
0x21: {  	s3 =	sadd.s32 s3, s9;
	s6 =	sadd.s32 @!p0 $0x88, s6;
	s7 =	simm.s32 @p2 $0x1082  }
0x22: {  	[simem:s7], [sflag:s8] =	dma.local @!p0 [hbm:s6], $0xF7A  }
0x23: {  	s9 =	sor.u32 $0xD0000000, s2;
	s6 =	simm.s32 $0x108;
	_ =	swait.ge @!p0 [sflag:s8], $0x0  }
0x24: {  	s3 =	sadd.s32 $0x88, s3;
	s6 =	simm.s32 @!p1 $0x1082;
	[sflag:s4] =	ssyncset.s32 $0xFFFFF086  }
0x25: {  	[simem:s6], [sflag:s4] =	dma.local [hbm:s3], $0xF7A  }
0x26: {  	[smem:$0x3F9D] =	sst s1;
	(tag) =	ssettag s2;
	_ =	strace s9  }
0x27: {  	s1 =	sld [smem:$0x3FAD]  }
0x28: {  	s2 =	sld [smem:$0x3FAE]  }
0x29: {  	s4 =	sld [smem:$0x3FB0]  }
0x2a: {  	p0 =	seq.s32 s5, $0x0;
	s5 =	sld [smem:$0x3FB1]  }
0x2b: {  	s6 =	sld [smem:$0x3FB2]  }
0x2c: {  	s7 =	sld [smem:$0x3FB3]  }
0x2d: {  	s3 =	simm.s32 $0x108;
	s8 =	sld [smem:$0x3FB4]  }
0x2e: {  	s3 =	simm.s32 @!p0 $0x1082;
	s9 =	sld [smem:$0x3FB5]  }
0x2f: {  	lr =	sadd.s32 s0, s3;
	s0 =	sld [smem:$0x3FAC]  }
0x30: {  	s3 =	sld [smem:$0x3FAF]  }
0x31: {  	[smem:$0x3FB8] =	sst s10  }
0x32: {  	s10 =	sld [smem:$0x3FB6];
	_ =	sdelay $0x3  }
0x33: {  	p0 =	seq.s32 s10, $0x1;
	s10 =	sld [smem:$0x3FB8];
	_ =	sdelay $0x3  }
0x34: {  	[smem:$0x3FB8] =	sst s10  }
0x35: {  	s10 =	sld [smem:$0x3FB7];
	_ =	sdelay $0x3  }
0x36: {  	p1 =	seq.s32 s10, $0x1;
	s10 =	sld [smem:$0x3FB8];
	_ =	sdelay $0x3  }
0x37: {  	[smem:$0x3FB8] =	sst s10  }
0x38: {  	s10 =	sld [smem:$0x3FB9]  }
0x39: {  	_ = 	snop;
	(pc) =	sbr.ind lr, $3  }
0x3a: {  	_ = 	snop  }
0x3b: {  	_ = 	snop  }
0x3c: {  	p2 =	seq.s32 s10, $0x1;
	s10 =	sld [smem:$0x3FB8]  }
0x3d: {  	_ =	shalt  }
0x3e: {  	_ =	shalt  }
0x3f: {  	_ =	shalt  }
0x40: {  	_ =	shalt  }
0x41: {  	_ =	shalt  }
0x42: {  	_ =	shalt  }
0x43: {  	_ =	shalt  }
0x44: {  	_ =	shalt  }
0x45: {  	_ =	shalt  }
0x46: {  	_ =	shalt  }
0x47: {  	_ =	shalt  }
0x48: {  	_ =	shalt  }
0x49: {  	_ =	shalt  }
0x4a: {  	_ =	shalt  }
0x4b: {  	_ =	shalt  }
0x4c: {  	_ =	shalt  }
0x4d: {  	_ =	shalt  }
0x4e: {  	_ =	shalt  }
0x4f: {  	_ =	shalt  }
0x50: {  	_ =	shalt  }
0x51: {  	_ =	shalt  }
0x52: {  	_ =	shalt  }
0x53: {  	_ =	shalt  }
0x54: {  	_ =	shalt  }
0x55: {  	_ =	shalt  }
0x56: {  	_ =	shalt  }
0x57: {  	_ =	shalt  }
0x58: {  	_ =	shalt  }
0x59: {  	_ =	shalt  }
0x5a: {  	_ =	shalt  }
0x5b: {  	_ =	shalt  }
0x5c: {  	_ =	shalt  }
0x5d: {  	_ =	shalt  }
0x5e: {  	_ =	shalt  }
0x5f: {  	_ =	shalt  }
0x60: {  	_ =	shalt  }
0x61: {  	_ =	shalt  }
0x62: {  	_ =	shalt  }
0x63: {  	_ =	shalt  }
0x64: {  	_ =	shalt  }
0x65: {  	_ =	shalt  }
0x66: {  	_ =	shalt  }
0x67: {  	_ =	shalt  }
0x68: {  	_ =	shalt  }
0x69: {  	_ =	shalt  }
0x6a: {  	_ =	shalt  }
0x6b: {  	_ =	shalt  }
0x6c: {  	_ =	shalt  }
0x6d: {  	_ =	shalt  }
0x6e: {  	_ =	shalt  }
0x6f: {  	_ =	shalt  }
0x70: {  	_ =	shalt  }
0x71: {  	_ =	shalt  }
0x72: {  	_ =	shalt  }
0x73: {  	_ =	shalt  }
0x74: {  	_ =	shalt  }
0x75: {  	_ =	shalt  }
0x76: {  	_ =	shalt  }
0x77: {  	_ =	shalt  }
0x78: {  	_ =	shalt  }
0x79: {  	_ =	shalt  }
0x7a: {  	_ =	shalt  }
0x7b: {  	_ =	shalt  }
0x7c: {  	_ =	shalt  }
0x7d: {  	_ =	shalt  }
0x7e: {  	_ =	shalt  }
0x7f: {  	_ =	shalt  }
0x80: {  	_ =	shalt  }
0x81: {  	_ =	shalt  }
0x82: {  	_ =	shalt  }
0x83: {  	_ =	shalt  }
0x84: {  	_ =	shalt  }
0x85: {  	_ =	shalt  }
0x86: {  	_ =	shalt  }
0x87: {  	_ =	shalt  }
.Lfunc_end0:
.L_simem_size_0:
called_computation_lowered:
.L_overlay_start_0:
0x88: {  	s2 =	sld [smem:$0x3FD9]  }
0x89: {  	s3 =	sld [smem:$0x3FFE];
	_ =	sdelay $0x1  }
0x8a: {  	s1 =	srdreg.scid  }
0x8b: {  	s0 =	sand.u32 $0x1, s1  }
0x8c: {  	s17 =	sshll.u32 s0, $0xA;
	s2 =	sadd.s32 s3, s2  }
0x8d: {  	s2 =	sadd.s32 s2, s17  }
0x8e: {  	[smem:$0x3FC4] =	sst s2  }
0x8f: {  	_ = 	snop  }
0x90: {  	s2 =	sld [smem:$0x3FD0];
	(tm) =	ssettm $0x1  }
0x91: {  	s18 =	sld [smem:$0x3FFB];
	_ =	sdelay $0x3  }
0x92: {  	_ =	strace s18  }
0x93: {  	s3 =	sld [smem:$0x3FFC];
	_ =	sdelay $0x3  }
0x94: {  	_ =	strace s3  }
0x95: {  	s3 =	sld [smem:$0x3FFD];
	_ =	sdelay $0x3  }
0x96: {  	_ =	strace s3  }
0x97: {  	_ =	strace $0x8FFFFFFF  }
0x98: {  	s19 =	sld [smem:$0x3FDB];
	_ =	sdelay $0x1  }
0x99: {  	s4 =	simm.s32 $_scs_section_size  }
0x9a: {  	s5 =	simm.s32 $_size__tile_overlayer_lowered;
	s6 =	simm.s32 $_tile_overlayer_lowered  }
0x9b: {  	s22 =	simm.s32 $0x1BFF;
	s21 =	sshll.u32 s6, $0x1;
	s3 =	sadd.s32 s4, s19  }
0x9c: {  	s7 =	simm.s32 $0x0;
	s20 =	sshll.u32 s5, $0x1;
	s5 =	sadd.s32 s21, s3  }
0x9d: {  	[timem:s7], [sflag:s22] =	dma.local [hbm:s5], s20  }
0x9e: {  	_ =	swait.ge [sflag:s22], s20  }
0x9f: {  	s4 =	ssub.s32 $0x0, s20;
	[sflag:s22] =	ssyncset.done $0x0  }
0xa0: {  	[sflag:s22] =	ssyncadd.s32 s4;
	_ =	sdelay $0x1  }
0xa1: {  	s23 =	simm.s32 $0x1B8B  }
0xa2: {  	_ =	swait.ge [sflag:s23], $0x1  }
0xa3: {  	[sflag:s23] =	ssyncset.done $0x0  }
0xa4: {  	s25 =	simm.s32 $0x1B8E;
	s24 =	sld [smem:$0x3FFE];
	[sflag:s23] =	ssyncadd.s32 $0xFFFFFFFF  }
0xa5: {  	s26 =	simm.s32 $execute0_lowered;
	[smem:$0x3FD2] =	sst s25  }
0xa6: {  	s5 =	sshll.u32 s26, $0x1;
	_ =	strace $0x80000046;
	[dreg:$0x1] =	wrdreg $0xFFFFFFFF  }
0xa7: {  	s28 =	simm.s32 $_size_execute0_lowered;
	s3 =	sadd.s32 s3, s5;
	[dreg:$0x0] =	wrdreg $0x0  }
0xa8: {  	s5 =	sshll.u32 s28, $0x1;
	[dreg:$0x2] =	wrdreg s3  }
0xa9: {  	[dreg:$0x3] =	wrdreg s5  }
0xaa: {  	[dreg:$0x4] =	wrdreg $0xC0  }
0xab: {  	_ =	task [dreg:s7], $0x5FFFF  }
0xac: {  	[dreg:$0x1] =	wrdreg $0xFFFFFFFF  }
0xad: {  	[dreg:$0x0] =	wrdreg $0x60  }
0xae: {  	[dreg:$0x2] =	wrdreg s24  }
0xaf: {  	[dreg:$0x3] =	wrdreg s2  }
0xb0: {  	[dreg:$0x4] =	wrdreg $0x28800  }
0xb1: {  	[dreg:$0x5] =	wrdreg $0x9  }
0xb2: {  	_ =	task.clear_ibuf [dreg:s7], $0x6FFFF;
	_ =	strace $0x90000046  }
0xb3: {  	s29 =	simm.s32 $0x9;
	_ =	strace $0x80000048  }
0xb4: {  	_ =	swait.ge [sflag:s29], $0x1  }
0xb5: {  	[sflag:s29] =	ssyncadd.s32 $0xFFFFFFFF  }
0xb6: {  	_ =	strace $0x90000048  }
0xb7: {  	_ =	sfence  }
0xb8: {  	s30 =	sld [smem:$0x0];
	_ =	sdelay $0x2  }
0xb9: {  	s31 =	sshll.u32 s1, $0xD;
	s1 =	sshrl.u32 s1, $0x2  }
0xba: {  	s3 =	sand.u32 $0x4000, s31;
	s1 =	sadd.s32 s1, s30  }
0xbb: {  	s0 =	sor.u32 s3, s0;
	s1 =	sshll.u32 s1, $0x11  }
0xbc: {  	s0 =	sor.u32 s1, s0  }
0xbd: {  	s0 =	sadd.s32 $0x8F2B, s0  }
0xbe: {  	[sflag:s0] =	ssyncadd.remote.s32 $0x1  }
0xbf: {  	_ =	sfence.sel $0xFFFF  }
0xc0: {  	[dreg:$0x0] =	wrdreg $0xFFFFFFFF;
	(pc) =	sbr.abs _section_cstart, $3  }
0xc1: {  	[dreg:$0x1] =	wrdreg $0xFFFFFFFF  }
0xc2: {  	_ =	task.clear_ibuf [dreg:s7], $0x2FFFF;
	_ =	strace $0x9FFFFFFF  }
0xc3: {  	(tm) =	ssettm $0x7FFFFFFF  }
tec
execute0_lowered:
.L_overlay_start_1:
0x0: {  	(tag) =	ssettag $0x1  }
0x1: {  	s0 =	rddreg [dreg:$0x0]  }
0x2: {  	s5 =	rddreg [dreg:$0x1]  }
0x3: {  	s1 =	rddreg [dreg:$0x2];
	s3 =	srdreg.scid  }
0x4: {  	s19 =	stileid.u32;
	s2 =	simm.s32 $0x0;
	s21 =	simm.s32 $0x2800  }
0x5: {  	s22 =	simm.s32 $0x3;
	s23 =	simm.s32 $0x80;
	s24 =	simm.s32 $0x100  }
0x6: {  	s25 =	simm.s32 $0x180;
	s30 =	simm.s32 $0x1;
	s31 =	simm.s32 $0x0  }
0x7: {  	s11 =	sand.u32 $0x1, s3;
	s26 =	sshll.u32 s19, $0x1;
	[smem:$0x7FF] =	sst s2  }
0x8: {  	s28 =	sadd.s32 $0x15800, s0;
	s29 =	sadd.s32 $0x15A00, s0;
	s0 =	sadd.s32 $0x1C10, s0  }
0x9: {  	s16 =	smul.u32 $0x4F00, s19;
	p0 =	sne.s32 s19, $0x0;
	s3 =	sor.u32 s11, s26  }
0xa: {  	_ =	strace $0x80000047;
	s6 =	ssub.s32 $0x2, s11;
	s17 =	smul.u32 $0x2780, s11  }
0xb: {  	[dreg:$0x4] =	wrdreg s28;
	s9 =	sshll.u32 s11, $0x4;
	s7 =	smul.u32 $0x2780, s3  }
0xc: {  	[dreg:$0x5] =	wrdreg s29;
	s8 =	sshrl.u32 s6, $0x1;
	s5 =	sadd.s32 s5, s9  }
0xd: {  	s8 =	ssub.s32 s6, s8;
	s18 =	sadd.s32 s17, s16;
	s7 =	sshrl.u32 s7, $0x2  }
0xe: {  	s20 =	sadd.s32 $0x600, s18;
	s6 =	sadd.s32 s7, s0;
	s7 =	smax.u32 s8, $0x1  }
0xf: {  	s20 =	sshrl.u32 s20, $0x2;
	s8 =	sadd.s32 $0x20, s6;
	s9 =	sadd.s32 $0x40, s6  }
0x10: {  	s10 =	sadd.s32 $0x60, s6;
	s11 =	sadd.s32 $0x80, s6;
	s12 =	sadd.s32 $0xA0, s6  }
0x11: {  	s13 =	sadd.s32 $0xC0, s6;
	s14 =	sadd.s32 $0xE0, s6;
	s15 =	sadd.s32 $0x100, s6  }
0x12: {  	s16 =	sadd.s32 $0x120, s6;
	s17 =	sadd.s32 $0x140, s6;
	s18 =	sadd.s32 $0x160, s6  }
0x13: {  	s19 =	sadd.s32 s20, s0;
	s20 =	sshrl.u32 @!p0 s1, $0x3;
	s0 =	simm.s32 $0x2  }
.LBB2_1:
0x14: {  	s26 =	simm.s32 @!p0 $0x1C03;
	s3 =	rddreg [dreg:$0x5]  }
0x15: {  	[spmem:s20], [sflag:s26] =	dma.local @!p0 [hbm:s3], $0x500  }
0x16: {  	s26 =	simm.s32 @!p0 $0x3  }
0x17: {  	_ =	swait.ge @!p0 [sflag:s26], $0x500  }
0x18: {  	[sflag:s26] =	ssyncset.done @!p0 $0x0  }
0x19: {  	[sflag:s26] =	ssyncadd.s32 @!p0 $0xFFFFFB00;
	s26 =	rddreg [dreg:$0x4]  }
0x1a: {  	[tilespmem:s21], [sflag:$0x3] =	stream.linear.gather [hbm4b:s26+s2], $0x80, $0x38;
	[tilespmem:$0x2B00] =	vst v63  }
0x1b: {  	_ =	swait.ge [sflag:s22], $0x80  }
0x1c: {  	[sflag:s22] =	ssyncset.done $0x0  }
0x1d: {  	[sflag:s22] =	ssyncadd.s32 $0xFFFFFF80  }
0x1e: {  	[tilespmem:s2], [sflag:$0x2] =	stream.linear.gather [hbm4b:s6+s2], $0x80, $0x38;
	[tilespmem:$0x2B00] =	vst v63  }
0x1f: {  	_ = 	snop  }
0x20: {  	[tilespmem:s23], [sflag:$0x2] =	stream.linear.gather [hbm4b:s8+s2], $0x80, $0x38;
	[tilespmem:$0x2B00] =	vst v63  }
0x21: {  	_ = 	snop  }
0x22: {  	[tilespmem:s24], [sflag:$0x2] =	stream.linear.gather [hbm4b:s9+s2], $0x80, $0x38;
	[tilespmem:$0x2B00] =	vst v63  }
0x23: {  	_ = 	snop  }
0x24: {  	[tilespmem:s25], [sflag:$0x2] =	stream.linear.gather [hbm4b:s10+s2], $0x80, $0x38;
	[tilespmem:$0x2B00] =	vst v63  }
0x25: {  	s4 =	simm.s32 $0x200  }
0x26: {  	[tilespmem:s4], [sflag:$0x2] =	stream.linear.gather [hbm4b:s11+s2], $0x80, $0x38;
	[tilespmem:$0x2B00] =	vst v63  }
0x27: {  	s26 =	simm.s32 $0x280  }
0x28: {  	[tilespmem:s26], [sflag:$0x2] =	stream.linear.gather [hbm4b:s12+s2], $0x80, $0x38;
	[tilespmem:$0x2B00] =	vst v63  }
0x29: {  	s4 =	simm.s32 $0x300  }
0x2a: {  	[tilespmem:s4], [sflag:$0x2] =	stream.linear.gather [hbm4b:s13+s2], $0x80, $0x38;
	[tilespmem:$0x2B00] =	vst v63  }
0x2b: {  	s26 =	simm.s32 $0x380  }
0x2c: {  	[tilespmem:s26], [sflag:$0x2] =	stream.linear.gather [hbm4b:s14+s2], $0x80, $0x38;
	[tilespmem:$0x2B00] =	vst v63  }
0x2d: {  	s4 =	simm.s32 $0x400;
	[bflag:$0x0] =	sbarrier.arrive $0xFFFF  }
0x2e: {  	[tilespmem:s4], [sflag:$0x2] =	stream.linear.gather [hbm4b:s15+s2], $0x80, $0x38;
	[tilespmem:$0x2B00] =	vst v63  }
0x2f: {  	_ =	swait.ge [sflag:s0], $0x80  }
0x30: {  	[sflag:s0] =	ssyncset.done $0x0  }
0x31: {  	[sflag:s0] =	ssyncadd.s32 $0xFFFFFF80  }
0x32: {  	[spmem:s1] =	stream.indirect.scatter.add.f32 [tilespmem:s21], [sflag:$0x1], $0x1, s2, s23, $0xb8;
	[tilespmem:$0x2B00] =	vst v63  }
0x33: {  	s26 =	simm.s32 $0x480  }
0x34: {  	[tilespmem:s26], [sflag:$0x2] =	stream.linear.gather [hbm4b:s16+s2], $0x80, $0x38;
	[tilespmem:$0x2B00] =	vst v63  }
0x35: {  	_ =	swait.ge [sflag:s0], $0x80  }
0x36: {  	[sflag:s0] =	ssyncset.done $0x0  }
0x37: {  	[sflag:s0] =	ssyncadd.s32 $0xFFFFFF80  }
0x38: {  	[spmem:s1] =	stream.indirect.scatter.add.f32 [tilespmem:s21], [sflag:$0x1], $0x1, s23, s23, $0xb8;
	[tilespmem:$0x2B00] =	vst v63  }
0x39: {  	s4 =	simm.s32 $0x500  }
0x3a: {  	[tilespmem:s4], [sflag:$0x2] =	stream.linear.gather [hbm4b:s17+s2], $0x80, $0x38;
	[tilespmem:$0x2B00] =	vst v63  }
0x3b: {  	_ =	swait.ge [sflag:s0], $0x80  }
0x3c: {  	[sflag:s0] =	ssyncset.done $0x0  }
0x3d: {  	[sflag:s0] =	ssyncadd.s32 $0xFFFFFF80  }
0x3e: {  	[spmem:s1] =	stream.indirect.scatter.add.f32 [tilespmem:s21], [sflag:$0x1], $0x1, s24, s23, $0xb8;
	[tilespmem:$0x2B00] =	vst v63  }
0x3f: {  	s26 =	simm.s32 $0x580  }
0x40: {  	[tilespmem:s26], [sflag:$0x2] =	stream.linear.gather [hbm4b:s18+s2], $0x80, $0x38;
	[tilespmem:$0x2B00] =	vst v63  }
0x41: {  	_ =	swait.ge [sflag:s0], $0x80  }
0x42: {  	[sflag:s0] =	ssyncset.done $0x0  }
0x43: {  	p1 =	por $0x0, $0x0;
	[sflag:s0] =	ssyncadd.s32 $0xFFFFFF80  }
0x44: {  	[spmem:s1] =	stream.indirect.scatter.add.f32 [tilespmem:s21], [sflag:$0x1], $0x1, s25, s23, $0xb8;
	[tilespmem:$0x2B00] =	vst v63  }
0x45: {  	s28 =	simm.s32 @!p1 $0x0;
	s26 =	simm.s32 $0x600  }
0x46: {  	[tilespmem:s26], [sflag:$0x2] =	stream.linear.gather @!p1 [hbm4b:s19+s28], $0x80, $0x38;
	[tilespmem:$0x2B00] =	vst v63  }
0x47: {  	_ =	swait.ge [sflag:s0], $0x80  }
0x48: {  	[sflag:s0] =	ssyncset.done $0x0  }
0x49: {  	s4 =	simm.s32 $0x200;
	[sflag:s0] =	ssyncadd.s32 $0xFFFFFF80  }
0x4a: {  	[spmem:s1] =	stream.indirect.scatter.add.f32 [tilespmem:s21], [sflag:$0x1], $0x1, s4, s23, $0xb8;
	[tilespmem:$0x2B00] =	vst v63  }
0x4b: {  	s29 =	simm.s32 $0x6;
	s28 =	sadd.s32 $0x20, s19;
	_ =	swait.ge [sflag:s30], $0x80  }
0x4c: {  	p1 =	por $0x0, $0x0;
	s26 =	simm.s32 $0x680;
	[sflag:s30] =	ssyncset.done $0x0  }
.LBB2_2:
0x4d: {  	s3 =	simm.s32 @!p1 $0x0  }
0x4e: {  	[sflag:s30] =	ssyncadd.s32 $0xFFFFFF80;
	s4 =	smov.u32 s29;
	s29 =	sadd.s32 $0x1, s29  }
0x4f: {  	[tilespmem:s26], [sflag:$0x2] =	stream.linear.gather @!p1 [hbm4b:s28+s3], $0x80, $0x38;
	[tilespmem:$0x2B00] =	vst v63  }
0x50: {  	p2 =	sne.s32 s29, $0x4F;
	_ =	swait.ge [sflag:s0], $0x80  }
.Ltmp0:
0x51: {  	[sflag:s0] =	ssyncset.done $0x0;
	(pc) =	sbr.rel @p2 .LBB2_2-.Ltmp0, $4  }
0x52: {  	s3 =	sadd.s32 $0xFFFFFC00, s26;
	[sflag:s0] =	ssyncadd.s32 $0xFFFFFF80  }
0x53: {  	[spmem:s1] =	stream.indirect.scatter.add.f32 [tilespmem:s21], [sflag:$0x1], $0x1, s3, s23, $0xb8;
	[tilespmem:$0x2B00] =	vst v63  }
0x54: {  	s28 =	sadd.s32 $0x20, s28;
	_ =	swait.ge [sflag:s30], $0x80  }
0x55: {  	p1 =	sgt.u32 s4, $0x46;
	s26 =	sadd.s32 $0x80, s26;
	[sflag:s30] =	ssyncset.done $0x0  }
0x56: {  	s3 =	simm.s32 @!p1 $0x0;
	[sflag:s30] =	ssyncadd.s32 $0xFFFFFF80  }
0x57: {  	[tilespmem:s26], [sflag:$0x2] =	stream.linear.gather @!p1 [hbm4b:s28+s3], $0x80, $0x38;
	[tilespmem:$0x2B00] =	vst v63  }
0x58: {  	_ =	swait.ge [sflag:s0], $0x80  }
0x59: {  	[sflag:s0] =	ssyncset.done $0x0  }
0x5a: {  	s29 =	sadd.s32 $0xFFFFFC00, s26;
	[sflag:s0] =	ssyncadd.s32 $0xFFFFFF80  }
0x5b: {  	[spmem:s1] =	stream.indirect.scatter.add.f32 [tilespmem:s21], [sflag:$0x1], $0x1, s29, s23, $0xb8;
	[tilespmem:$0x2B00] =	vst v63  }
0x5c: {  	_ =	swait.ge [sflag:s30], $0x80  }
0x5d: {  	[sflag:s30] =	ssyncset.done $0x0  }
0x5e: {  	[sflag:s30] =	ssyncadd.s32 $0xFFFFFF80  }
0x5f: {  	_ =	swait.ge [sflag:s30], $0x80  }
0x60: {  	[sflag:s30] =	ssyncset.done $0x0  }
0x61: {  	[sflag:s30] =	ssyncadd.s32 $0xFFFFFF80  }
0x62: {  	_ =	swait.ge [sflag:s30], $0x80  }
0x63: {  	[sflag:s30] =	ssyncset.done $0x0  }
0x64: {  	[sflag:s30] =	ssyncadd.s32 $0xFFFFFF80  }
0x65: {  	_ =	swait.ge [sflag:s30], $0x80  }
0x66: {  	[sflag:s30] =	ssyncset.done $0x0  }
0x67: {  	[sflag:s30] =	ssyncadd.s32 $0xFFFFFF80  }
0x68: {  	_ =	swait.ge [sflag:s30], $0x80  }
0x69: {  	s4 =	simm.s32 @!p0 $0x20;
	s31 =	sadd.s32 $0x1, s31;
	[sflag:s30] =	ssyncset.done $0x0  }
0x6a: {  	s3 =	simm.s32 @!p0 $0x1;
	s26 =	simm.s32 @!p0 $0x10;
	[sflag:s30] =	ssyncadd.s32 $0xFFFFFF80  }
0x6b: {  	s28 =	simm.s32 @!p0 $0x1C03;
	p1 =	sne.s32 s31, s7;
	[bflag:$0x0] =	sbarrier.arrive $0xFFFF  }
0x6c: {  	[hbm:s5@s4], [sflag:s28] =	dma.strided @!p0 [spmem:s20@s26], $0x500, s3, $0x10   }
.Ltmp1:
0x6d: {  	_ = 	snop;
	(pc) =	sbr.rel @p1 .LBB2_1-.Ltmp1, $4  }
0x6e: {  	s3 =	simm.s32 @!p0 $0x3  }
0x6f: {  	_ =	swait.ge @!p0 [sflag:s3], $0x500  }
0x70: {  	[sflag:s3] =	ssyncset.done @!p0 $0x0  }
0x71: {  	[sflag:s3] =	ssyncadd.s32 @!p0 $0xFFFFFB00  }
0x72: {  	_ =	sfence.sel $0x180000  }
0x73: {  	[bflag:$0x0] =	sbarrier.arrive $0xFFFF  }
0x74: {  	_ =	strace $0x90000047  }
0x75: {  	[bflag:$0x2] =	sbarrier.arrive $0xFFFF  }
0x76: {  	s0 =	rddreg [dreg:$0x3]  }
0x77: {  	s0 =	sadd.s32 @!p0 $0x100000, s0  }
0x78: {  	[sflag:s0] =	ssyncadd.tile.s32 @!p0 $0x1;
	_ =	shalt  }
.Lfunc_end2:
_tile_overlayer_lowered:
.L_overlay_start_2:
0x79: {  	(tag) =	ssettag $0x2  }
0x7a: {  	s0 =	rddreg [dreg:$0x0];
	s2 =	stileid.u32  }
0x7b: {  	s1 =	rddreg [dreg:$0x1];
	p0 =	sne.s32 s2, $0x0  }
0x7c: {  	s3 =	rddreg [dreg:$0x2];
	[bflag:$0x3] =	sbarrier.arrive $0xFFFF;
	s2 =	simm.s32 @!p0 $0x1C03  }
0x7d: {  	[timem:s3], [sflag:s2] =	dma.local @!p0 [hbm:s0], s1  }
0x7e: {  	s0 =	simm.s32 @!p0 $0x3  }
0x7f: {  	_ =	swait.ge @!p0 [sflag:s0], s1  }
0x80: {  	s1 =	ssub.s32 @!p0 $0x0, s1;
	[sflag:s0] =	ssyncset.done @!p0 $0x0  }
0x81: {  	[sflag:s0] =	ssyncadd.s32 @!p0 s1  }
0x82: {  	[bflag:$0x3] =	sbarrier.arrive $0xFFFF  }
0x83: {  	_ =	shalt  }

// kernel: kernel.9.cloned.1.call-start
scs
__scs_entry_jumppad:
0x0: {  	(pc) =	sbr.rel $0x88, $3  }
0x1: {  	(tag) =	ssettag $0x0;
	lr =	simm.s32 $0x1  }
0x2: {  	[smem:$0x3F9D] =	sst lr;
	_ =	strace $0xD0000000  }
0x3: {  	_ = 	snop  }
0x4: {  	_ = 	snop  }
0x5: {  	_ = 	snop  }
0x6: {  	_ = 	snop  }
0x7: {  	_ = 	snop  }
__scs_overlays_trampoline_lowered:
0x8: {  	[smem:$0x3FAC] =	sst s0  }
0x9: {  	[smem:$0x3FAD] =	sst s1  }
0xa: {  	[smem:$0x3FAE] =	sst s2  }
0xb: {  	[smem:$0x3FAF] =	sst s3  }
0xc: {  	[smem:$0x3FB0] =	sst s4  }
0xd: {  	[smem:$0x3FB1] =	sst s5  }
0xe: {  	[smem:$0x3FB2] =	sst s6  }
0xf: {  	[smem:$0x3FB3] =	sst s7  }
0x10: {  	[smem:$0x3FB4] =	sst s8  }
0x11: {  	[smem:$0x3FB5] =	sst s9;
	s0 =	simm.s32 @!p0 $0x0  }
0x12: {  	s1 =	sld [smem:$0x3F9B];
	s0 =	simm.s32 @p0 $0x1  }
0x13: {  	[smem:$0x3FB6] =	sst s0;
	s0 =	simm.s32 @!p1 $0x0  }
0x14: {  	s2 =	sld [smem:$0x3F9A];
	s0 =	simm.s32 @p1 $0x1  }
0x15: {  	[smem:$0x3FB7] =	sst s0;
	s0 =	simm.s32 @!p2 $0x0  }
0x16: {  	s3 =	sld [smem:$0x3FDB];
	s0 =	simm.s32 @p2 $0x1  }
0x17: {  	s4 =	simm.s32 $0x1BF5;
	[smem:$0x3FB9] =	sst s0  }
0x18: {  	s0 =	sld [smem:$0x3F9C];
	_ =	swait.ge [sflag:s4], $0x0  }
0x19: {  	s7 =	sld [smem:$0x3F9D]  }
0x1a: {  	s8 =	sadd.s32 $0xFFFFE003, lr  }
0x1b: {  	s9 =	sadd.s32 $0xFFFFFEF7, lr;
	s5 =	simm.s32 $0xFFFFFFFF;
	p2 =	slt.u32 s8, $0xFFFFF086  }
0x1c: {  	p1 =	slt.u32 s9, $0xF7A;
	s5 =	simm.s32 @!p2 $0x0  }
0x1d: {  	s5 =	simm.s32 @p1 $0x1;
	p0 =	seq.s32 s7, s2  }
0x1e: {  	s7 =	smul.u32 @!p0 $0xF7A, s2;
	p2 =	seq.s32 @!p0 s5, $0x0  }
0x1f: {  	s9 =	smul.u32 $0xF7A, s1;
	s8 =	simm.s32 @!p0 $0x1BF5;
	p2 =	por !p2, p0  }
0x20: {  	[sflag:s8] =	ssyncset.s32 @!p0 $0xFFFFF086;
	s6 =	sadd.s32 @!p0 s3, s7;
	s7 =	simm.s32 @!p0 $0x108  }
0x21: {  	s3 =	sadd.s32 s3, s9;
	s6 =	sadd.s32 @!p0 $0x88, s6;
	s7 =	simm.s32 @p2 $0x1082  }
0x22: {  	[simem:s7], [sflag:s8] =	dma.local @!p0 [hbm:s6], $0xF7A  }
0x23: {  	s9 =	sor.u32 $0xD0000000, s2;
	s6 =	simm.s32 $0x108;
	_ =	swait.ge @!p0 [sflag:s8], $0x0  }
0x24: {  	s3 =	sadd.s32 $0x88, s3;
	s6 =	simm.s32 @!p1 $0x1082;
	[sflag:s4] =	ssyncset.s32 $0xFFFFF086  }
0x25: {  	[simem:s6], [sflag:s4] =	dma.local [hbm:s3], $0xF7A  }
0x26: {  	[smem:$0x3F9D] =	sst s1;
	(tag) =	ssettag s2;
	_ =	strace s9  }
0x27: {  	s1 =	sld [smem:$0x3FAD]  }
0x28: {  	s2 =	sld [smem:$0x3FAE]  }
0x29: {  	s4 =	sld [smem:$0x3FB0]  }
0x2a: {  	p0 =	seq.s32 s5, $0x0;
	s5 =	sld [smem:$0x3FB1]  }
0x2b: {  	s6 =	sld [smem:$0x3FB2]  }
0x2c: {  	s7 =	sld [smem:$0x3FB3]  }
0x2d: {  	s3 =	simm.s32 $0x108;
	s8 =	sld [smem:$0x3FB4]  }
0x2e: {  	s3 =	simm.s32 @!p0 $0x1082;
	s9 =	sld [smem:$0x3FB5]  }
0x2f: {  	lr =	sadd.s32 s0, s3;
	s0 =	sld [smem:$0x3FAC]  }
0x30: {  	s3 =	sld [smem:$0x3FAF]  }
0x31: {  	[smem:$0x3FB8] =	sst s10  }
0x32: {  	s10 =	sld [smem:$0x3FB6];
	_ =	sdelay $0x3  }
0x33: {  	p0 =	seq.s32 s10, $0x1;
	s10 =	sld [smem:$0x3FB8];
	_ =	sdelay $0x3  }
0x34: {  	[smem:$0x3FB8] =	sst s10  }
0x35: {  	s10 =	sld [smem:$0x3FB7];
	_ =	sdelay $0x3  }
0x36: {  	p1 =	seq.s32 s10, $0x1;
	s10 =	sld [smem:$0x3FB8];
	_ =	sdelay $0x3  }
0x37: {  	[smem:$0x3FB8] =	sst s10  }
0x38: {  	s10 =	sld [smem:$0x3FB9]  }
0x39: {  	_ = 	snop;
	(pc) =	sbr.ind lr, $3  }
0x3a: {  	_ = 	snop  }
0x3b: {  	_ = 	snop  }
0x3c: {  	p2 =	seq.s32 s10, $0x1;
	s10 =	sld [smem:$0x3FB8]  }
0x3d: {  	_ =	shalt  }
0x3e: {  	_ =	shalt  }
0x3f: {  	_ =	shalt  }
0x40: {  	_ =	shalt  }
0x41: {  	_ =	shalt  }
0x42: {  	_ =	shalt  }
0x43: {  	_ =	shalt  }
0x44: {  	_ =	shalt  }
0x45: {  	_ =	shalt  }
0x46: {  	_ =	shalt  }
0x47: {  	_ =	shalt  }
0x48: {  	_ =	shalt  }
0x49: {  	_ =	shalt  }
0x4a: {  	_ =	shalt  }
0x4b: {  	_ =	shalt  }
0x4c: {  	_ =	shalt  }
0x4d: {  	_ =	shalt  }
0x4e: {  	_ =	shalt  }
0x4f: {  	_ =	shalt  }
0x50: {  	_ =	shalt  }
0x51: {  	_ =	shalt  }
0x52: {  	_ =	shalt  }
0x53: {  	_ =	shalt  }
0x54: {  	_ =	shalt  }
0x55: {  	_ =	shalt  }
0x56: {  	_ =	shalt  }
0x57: {  	_ =	shalt  }
0x58: {  	_ =	shalt  }
0x59: {  	_ =	shalt  }
0x5a: {  	_ =	shalt  }
0x5b: {  	_ =	shalt  }
0x5c: {  	_ =	shalt  }
0x5d: {  	_ =	shalt  }
0x5e: {  	_ =	shalt  }
0x5f: {  	_ =	shalt  }
0x60: {  	_ =	shalt  }
0x61: {  	_ =	shalt  }
0x62: {  	_ =	shalt  }
0x63: {  	_ =	shalt  }
0x64: {  	_ =	shalt  }
0x65: {  	_ =	shalt  }
0x66: {  	_ =	shalt  }
0x67: {  	_ =	shalt  }
0x68: {  	_ =	shalt  }
0x69: {  	_ =	shalt  }
0x6a: {  	_ =	shalt  }
0x6b: {  	_ =	shalt  }
0x6c: {  	_ =	shalt  }
0x6d: {  	_ =	shalt  }
0x6e: {  	_ =	shalt  }
0x6f: {  	_ =	shalt  }
0x70: {  	_ =	shalt  }
0x71: {  	_ =	shalt  }
0x72: {  	_ =	shalt  }
0x73: {  	_ =	shalt  }
0x74: {  	_ =	shalt  }
0x75: {  	_ =	shalt  }
0x76: {  	_ =	shalt  }
0x77: {  	_ =	shalt  }
0x78: {  	_ =	shalt  }
0x79: {  	_ =	shalt  }
0x7a: {  	_ =	shalt  }
0x7b: {  	_ =	shalt  }
0x7c: {  	_ =	shalt  }
0x7d: {  	_ =	shalt  }
0x7e: {  	_ =	shalt  }
0x7f: {  	_ =	shalt  }
0x80: {  	_ =	shalt  }
0x81: {  	_ =	shalt  }
0x82: {  	_ =	shalt  }
0x83: {  	_ =	shalt  }
0x84: {  	_ =	shalt  }
0x85: {  	_ =	shalt  }
0x86: {  	_ =	shalt  }
0x87: {  	_ =	shalt  }
.Lfunc_end0:
.L_simem_size_0:
called_computation.1_lowered:
.L_overlay_start_0:
0x88: {  	s2 =	sld [smem:$0x3FD9]  }
0x89: {  	s3 =	sld [smem:$0x3FFE];
	_ =	sdelay $0x1  }
0x8a: {  	s1 =	srdreg.scid  }
0x8b: {  	s0 =	sand.u32 $0x1, s1  }
0x8c: {  	s17 =	sshll.u32 s0, $0xA;
	s2 =	sadd.s32 s3, s2  }
0x8d: {  	s2 =	sadd.s32 s2, s17  }
0x8e: {  	[smem:$0x3FC4] =	sst s2  }
0x8f: {  	_ = 	snop  }
0x90: {  	s2 =	sld [smem:$0x3FD0];
	(tm) =	ssettm $0x1  }
0x91: {  	s18 =	sld [smem:$0x3FFB];
	_ =	sdelay $0x3  }
0x92: {  	_ =	strace s18  }
0x93: {  	s3 =	sld [smem:$0x3FFC];
	_ =	sdelay $0x3  }
0x94: {  	_ =	strace s3  }
0x95: {  	s3 =	sld [smem:$0x3FFD];
	_ =	sdelay $0x3  }
0x96: {  	_ =	strace s3  }
0x97: {  	_ =	strace $0x8FFFFFFF  }
0x98: {  	s19 =	sld [smem:$0x3FDB];
	_ =	sdelay $0x1  }
0x99: {  	s4 =	simm.s32 $_scs_section_size  }
0x9a: {  	s5 =	simm.s32 $_size__tile_overlayer_lowered;
	s6 =	simm.s32 $_tile_overlayer_lowered  }
0x9b: {  	s22 =	simm.s32 $0x1BFF;
	s21 =	sshll.u32 s6, $0x1;
	s3 =	sadd.s32 s4, s19  }
0x9c: {  	s7 =	simm.s32 $0x0;
	s20 =	sshll.u32 s5, $0x1;
	s5 =	sadd.s32 s21, s3  }
0x9d: {  	[timem:s7], [sflag:s22] =	dma.local [hbm:s5], s20  }
0x9e: {  	_ =	swait.ge [sflag:s22], s20  }
0x9f: {  	s4 =	ssub.s32 $0x0, s20;
	[sflag:s22] =	ssyncset.done $0x0  }
0xa0: {  	[sflag:s22] =	ssyncadd.s32 s4;
	_ =	sdelay $0x1  }
0xa1: {  	s23 =	simm.s32 $0x1B8B  }
0xa2: {  	_ =	swait.ge [sflag:s23], $0x1  }
0xa3: {  	[sflag:s23] =	ssyncset.done $0x0  }
0xa4: {  	s25 =	simm.s32 $0x1B8E;
	s24 =	sld [smem:$0x3FFE];
	[sflag:s23] =	ssyncadd.s32 $0xFFFFFFFF  }
0xa5: {  	s26 =	simm.s32 $execute0_lowered;
	[smem:$0x3FD2] =	sst s25  }
0xa6: {  	s5 =	sshll.u32 s26, $0x1;
	_ =	strace $0x80000049;
	[dreg:$0x1] =	wrdreg $0xFFFFFFFF  }
0xa7: {  	s28 =	simm.s32 $_size_execute0_lowered;
	s3 =	sadd.s32 s3, s5;
	[dreg:$0x0] =	wrdreg $0x0  }
0xa8: {  	s5 =	sshll.u32 s28, $0x1;
	[dreg:$0x2] =	wrdreg s3  }
0xa9: {  	[dreg:$0x3] =	wrdreg s5  }
0xaa: {  	[dreg:$0x4] =	wrdreg $0xC0  }
0xab: {  	_ =	task [dreg:s7], $0x5FFFF  }
0xac: {  	[dreg:$0x1] =	wrdreg $0xFFFFFFFF  }
0xad: {  	[dreg:$0x0] =	wrdreg $0x60  }
0xae: {  	[dreg:$0x2] =	wrdreg s2  }
0xaf: {  	[dreg:$0x3] =	wrdreg s24  }
0xb0: {  	[dreg:$0x4] =	wrdreg $0x84000  }
0xb1: {  	[dreg:$0x5] =	wrdreg $0x9  }
0xb2: {  	_ =	task.clear_ibuf [dreg:s7], $0x6FFFF;
	_ =	strace $0x90000049  }
0xb3: {  	s29 =	simm.s32 $0x9;
	_ =	strace $0x8000004B  }
0xb4: {  	_ =	swait.ge [sflag:s29], $0x1  }
0xb5: {  	[sflag:s29] =	ssyncadd.s32 $0xFFFFFFFF  }
0xb6: {  	_ =	strace $0x9000004B  }
0xb7: {  	_ =	sfence  }
0xb8: {  	s30 =	sld [smem:$0x0];
	_ =	sdelay $0x2  }
0xb9: {  	s31 =	sshll.u32 s1, $0xD;
	s1 =	sshrl.u32 s1, $0x2  }
0xba: {  	s3 =	sand.u32 $0x4000, s31;
	s1 =	sadd.s32 s1, s30  }
0xbb: {  	s0 =	sor.u32 s3, s0;
	s1 =	sshll.u32 s1, $0x11  }
0xbc: {  	s0 =	sor.u32 s1, s0  }
0xbd: {  	s0 =	sadd.s32 $0x8F2B, s0  }
0xbe: {  	[sflag:s0] =	ssyncadd.remote.s32 $0x1  }
0xbf: {  	_ =	sfence.sel $0xFFFF  }
0xc0: {  	[dreg:$0x0] =	wrdreg $0xFFFFFFFF;
	(pc) =	sbr.abs _section_cstart, $3  }
0xc1: {  	[dreg:$0x1] =	wrdreg $0xFFFFFFFF  }
0xc2: {  	_ =	task.clear_ibuf [dreg:s7], $0x2FFFF;
	_ =	strace $0x9FFFFFFF  }
0xc3: {  	(tm) =	ssettm $0x7FFFFFFF  }
tec
execute0_lowered:
.L_overlay_start_1:
0x0: {  	(tag) =	ssettag $0x1  }
0x1: {  	s2 =	rddreg [dreg:$0x0]  }
0x2: {  	s0 =	rddreg [dreg:$0x1]  }
0x3: {  	s3 =	rddreg [dreg:$0x2]  }
0x4: {  	s13 =	stileid.u32;
	s1 =	srdreg.scid  }
0x5: {  	s4 =	simm.s32 $0x0;
	s28 =	simm.s32 $0x380;
	s29 =	simm.s32 $0x1  }
0x6: {  	s30 =	simm.s32 $0x400;
	s31 =	simm.s32 $0x2;
	s6 =	smul.u32 $0x2700, s13  }
0x7: {  	s1 =	sand.u32 $0x1, s1;
	s5 =	sshll.u32 s13, $0x1;
	s18 =	smul.u32 $0x4E000, s13  }
0x8: {  	[smem:$0x7FF] =	sst s4;
	s7 =	sadd.s32 $0x1C00, s0;
	s21 =	smul.u32 $0x13800, s13  }
0x9: {  	s9 =	sadd.s32 $0x3CA00, s0;
	s22 =	sadd.s32 $0x124800, s3;
	s24 =	smul.u32 $0x13C0, s13  }
0xa: {  	p0 =	seq.s32 s13, $0xF;
	s5 =	sor.u32 s1, s5;
	s20 =	smul.u32 $0x138800, s1  }
0xb: {  	_ =	strace $0x8000004A;
	s8 =	ssub.s32 $0x2, s1;
	s1 =	smul.u32 $0x9E0, s1  }
0xc: {  	[dreg:$0xd] =	wrdreg s22;
	s22 =	simm.s32 $0x80;
	s5 =	smul.u32 $0x4F00, s5  }
0xd: {  	s6 =	sadd.s32 s6, s0;
	s10 =	sshrl.u32 s8, $0x1;
	s0 =	sadd.s32 $0x3A100, s0  }
0xe: {  	s8 =	ssub.s32 s8, s10;
	s10 =	sshrl.u32 s18, $0x2;
	s6 =	sadd.s32 $0x15800, s6  }
0xf: {  	[dreg:$0xe] =	wrdreg s0;
	s23 =	sadd.s32 s21, s20;
	s25 =	sshrl.u32 s20, $0x3  }
0x10: {  	s21 =	simm.s32 $0x200;
	s5 =	sshrl.u32 s5, $0x3;
	s10 =	sadd.s32 s10, s3  }
0x11: {  	[dreg:$0xc] =	wrdreg s6;
	s0 =	sshrl.u32 s23, $0x3;
	s26 =	sadd.s32 s9, s25  }
0x12: {  	s6 =	sadd.s32 s24, s7;
	s23 =	simm.s32 $0x280;
	s24 =	simm.s32 $0x100  }
0x13: {  	s25 =	simm.s32 $0x300;
	s5 =	sadd.s32 s7, s5;
	[dreg:$0xb] =	wrdreg s10  }
0x14: {  	s18 =	sadd.s32 $0x24900, s26;
	s20 =	sadd.s32 s1, s6;
	s14 =	sadd.s32 $0x10, s5  }
0x15: {  	s26 =	simm.s32 $0x180;
	s15 =	sadd.s32 $0x20, s5;
	[dreg:$0x4] =	wrdreg s14  }
0x16: {  	s1 =	simm.s32 $0x5;
	s16 =	sadd.s32 $0x30, s5;
	[dreg:$0x5] =	wrdreg s15  }
0x17: {  	s6 =	simm.s32 $0x7;
	s17 =	sadd.s32 $0x40, s5;
	[dreg:$0x6] =	wrdreg s16  }
.Ltmp0:
0x18: {  	s11 =	sadd.s32 $0x50, s5;
	[dreg:$0x7] =	wrdreg s17;
	(pc) =	sbr.rel .LBB2_1-.Ltmp0, $4  }
0x19: {  	s7 =	simm.s32 $0x3;
	s19 =	sadd.s32 $0x60, s5;
	[dreg:$0x8] =	wrdreg s11  }
0x1a: {  	s10 =	simm.s32 $0x0;
	s12 =	sadd.s32 $0x70, s5;
	[dreg:$0x9] =	wrdreg s19  }
0x1b: {  	[dreg:$0xa] =	wrdreg s12;
	s17 =	sadd.s32 s9, s0;
	s19 =	smax.u32 s8, $0x1  }
0x1c: {  	s0 =	simm.s32 $0x4400;
	s8 =	simm.s32 $0x6;
	s9 =	simm.s32 $0x4  }
.LBB2_4:
0x1d: {  	_ =	swait.ge [sflag:s1], $0x4000  }
0x1e: {  	[sflag:s1] =	ssyncset.done $0x0  }
0x1f: {  	[sflag:s1] =	ssyncadd.s32 $0xFFFFC000  }
0x20: {  	[spmem:s3] =	stream.indirect.scatter.add.f32 [tilespmem:s30], [sflag:$0x7], $0x80, s21, s22, $0xb8;
	[tilespmem:$0x1C400] =	vst v63  }
0x21: {  	_ =	swait.ge [sflag:s6], $0x4000  }
0x22: {  	[sflag:s6] =	ssyncset.done $0x0  }
0x23: {  	[sflag:s6] =	ssyncadd.s32 $0xFFFFC000  }
0x24: {  	_ =	swait.ge [sflag:s7], $0x80  }
0x25: {  	[sflag:s7] =	ssyncset.done $0x0  }
0x26: {  	[sflag:s7] =	ssyncadd.s32 $0xFFFFFF80  }
0x27: {  	_ =	swait.ge [sflag:s7], $0x80  }
0x28: {  	[sflag:s7] =	ssyncset.done $0x0  }
0x29: {  	[sflag:s7] =	ssyncadd.s32 $0xFFFFFF80  }
0x2a: {  	[tilespmem:s30], [sflag:$0x5] =	stream.indirect.gather [hbm4b:s2+s22], $0x80, s24, s22, $0xb8;
	[tilespmem:$0x1C400] =	vst v63  }
0x2b: {  	_ =	swait.ge [sflag:s8], $0x4000  }
0x2c: {  	[sflag:s8] =	ssyncset.done $0x0  }
0x2d: {  	[sflag:s8] =	ssyncadd.s32 $0xFFFFC000  }
0x2e: {  	[spmem:s3] =	stream.indirect.scatter.add.f32 [tilespmem:s0], [sflag:$0x7], $0x80, s23, s22, $0xb8;
	[tilespmem:$0x1C400] =	vst v63  }
0x2f: {  	_ =	swait.ge [sflag:s6], $0x4000  }
0x30: {  	[sflag:s6] =	ssyncset.done $0x0  }
0x31: {  	[sflag:s6] =	ssyncadd.s32 $0xFFFFC000  }
0x32: {  	_ =	swait.ge [sflag:s1], $0x4000  }
0x33: {  	[sflag:s1] =	ssyncset.done $0x0  }
0x34: {  	[sflag:s1] =	ssyncadd.s32 $0xFFFFC000  }
0x35: {  	[spmem:s3] =	stream.indirect.scatter.add.f32 [tilespmem:s30], [sflag:$0x7], $0x80, s25, s22, $0xb8;
	[tilespmem:$0x1C400] =	vst v63  }
0x36: {  	_ =	swait.ge [sflag:s6], $0x4000  }
0x37: {  	[sflag:s6] =	ssyncset.done $0x0  }
0x38: {  	[sflag:s6] =	ssyncadd.s32 $0xFFFFC000  }
0x39: {  	s14 =	simm.s32 @p0 $0x1FC7;
	[bflag:$0x0] =	sbarrier.arrive $0xFFFF  }
0x3a: {  	[hbm:s18], [sflag:s14] =	dma.local @p0 [spmem:s11], $0x2800  }
0x3b: {  	s11 =	simm.s32 @p0 $0x7  }
0x3c: {  	s10 =	sadd.s32 $0x1, s10;
	_ =	swait.ge @p0 [sflag:s11], $0x2800  }
0x3d: {  	p1 =	sne.s32 s10, s19;
	[sflag:s11] =	ssyncset.done @p0 $0x0  }
.Ltmp1:
0x3e: {  	[sflag:s11] =	ssyncadd.s32 @p0 $0xFFFFD800;
	s11 =	simm.s32 @!p0 $0x7;
	(pc) =	sbr.rel @!p1 .LBB2_5-.Ltmp1, $4  }
0x3f: {  	[hbm:s17], [sflag:s12] =	dma.local @!p0 [spmem:s13], $0x2700  }
0x40: {  	_ =	swait.ge @!p0 [sflag:s11], $0x2700  }
0x41: {  	[sflag:s11] =	ssyncset.done @!p0 $0x0  }
0x42: {  	[sflag:s11] =	ssyncadd.s32 @!p0 $0xFFFFD900  }
.LBB2_1:
0x43: {  	[tilespmem:s4], [sflag:$0x1] =	stream.linear.gather [hbm4b:s5+s4], $0x80, $0x38;
	[tilespmem:$0x1C400] =	vst v63  }
0x44: {  	s11 =	rddreg [dreg:$0x4]  }
0x45: {  	s16 =	rddreg [dreg:$0x5]  }
0x46: {  	s12 =	rddreg [dreg:$0x6]  }
0x47: {  	[tilespmem:s21], [sflag:$0x1] =	stream.linear.gather [hbm4b:s11+s4], $0x80, $0x38;
	[tilespmem:$0x1C400] =	vst v63  }
0x48: {  	s13 =	rddreg [dreg:$0x7]  }
0x49: {  	[tilespmem:s22], [sflag:$0x2] =	stream.linear.gather [hbm4b:s16+s4], $0x80, $0x38;
	[tilespmem:$0x1C400] =	vst v63  }
0x4a: {  	s14 =	rddreg [dreg:$0x8]  }
0x4b: {  	[tilespmem:s23], [sflag:$0x2] =	stream.linear.gather [hbm4b:s12+s4], $0x80, $0x38;
	[tilespmem:$0x1C400] =	vst v63  }
0x4c: {  	s15 =	rddreg [dreg:$0x9]  }
0x4d: {  	[tilespmem:s24], [sflag:$0x3] =	stream.linear.gather [hbm4b:s13+s4], $0x80, $0x38;
	[tilespmem:$0x1C400] =	vst v63  }
0x4e: {  	s11 =	rddreg [dreg:$0xd]  }
0x4f: {  	[tilespmem:s25], [sflag:$0x3] =	stream.linear.gather [hbm4b:s14+s4], $0x80, $0x38;
	[tilespmem:$0x1C400] =	vst v63  }
0x50: {  	s16 =	rddreg [dreg:$0xa]  }
0x51: {  	[tilespmem:s26], [sflag:$0x4] =	stream.linear.gather [hbm4b:s15+s4], $0x80, $0x38;
	[tilespmem:$0x1C400] =	vst v63  }
0x52: {  	s11 =	sshrl.u32 @p0 s11, $0x3;
	s12 =	simm.s32 @p0 $0x1FC7;
	s13 =	rddreg [dreg:$0xe]  }
0x53: {  	[tilespmem:s28], [sflag:$0x4] =	stream.linear.gather [hbm4b:s16+s4], $0x80, $0x38;
	[tilespmem:$0x1C400] =	vst v63  }
0x54: {  	[spmem:s11], [sflag:s12] =	dma.local @p0 [hbm:s13], $0x2800  }
0x55: {  	s12 =	simm.s32 @p0 $0x7  }
0x56: {  	s13 =	stileid.u32;
	_ =	swait.ge @p0 [sflag:s12], $0x2800  }
0x57: {  	s13 =	sshll.u32 @!p0 s13, $0x6;
	[sflag:s12] =	ssyncset.done @p0 $0x0  }
0x58: {  	[sflag:s12] =	ssyncadd.s32 @p0 $0xFFFFD800;
	s12 =	sor.u32 @!p0 $0x1C07, s13;
	s13 =	rddreg [dreg:$0xb]  }
0x59: {  	s14 =	rddreg [dreg:$0xc];
	s13 =	sshrl.u32 @!p0 s13, $0x3  }
0x5a: {  	[spmem:s13], [sflag:s12] =	dma.local @!p0 [hbm:s14], $0x2700  }
0x5b: {  	s14 =	simm.s32 @!p0 $0x7  }
0x5c: {  	_ =	swait.ge @!p0 [sflag:s14], $0x2700  }
0x5d: {  	[sflag:s14] =	ssyncset.done @!p0 $0x0  }
0x5e: {  	[sflag:s14] =	ssyncadd.s32 @!p0 $0xFFFFD900  }
0x5f: {  	[bflag:$0x0] =	sbarrier.arrive $0xFFFF  }
0x60: {  	_ =	swait.ge [sflag:s29], $0x80  }
0x61: {  	[sflag:s29] =	ssyncset.done $0x0  }
0x62: {  	[sflag:s29] =	ssyncadd.s32 $0xFFFFFF80  }
0x63: {  	_ =	swait.ge [sflag:s29], $0x80  }
0x64: {  	[sflag:s29] =	ssyncset.done $0x0  }
0x65: {  	[sflag:s29] =	ssyncadd.s32 $0xFFFFFF80  }
0x66: {  	[tilespmem:s30], [sflag:$0x5] =	stream.indirect.gather [hbm4b:s2+s22], $0x80, s4, s22, $0xb8;
	[tilespmem:$0x1C400] =	vst v63  }
0x67: {  	_ =	swait.ge [sflag:s31], $0x80  }
0x68: {  	[sflag:s31] =	ssyncset.done $0x0  }
0x69: {  	[sflag:s31] =	ssyncadd.s32 $0xFFFFFF80  }
0x6a: {  	_ =	swait.ge [sflag:s31], $0x80  }
0x6b: {  	[sflag:s31] =	ssyncset.done $0x0  }
0x6c: {  	s14 =	simm.s32 $0x0;
	[sflag:s31] =	ssyncadd.s32 $0xFFFFFF80  }
0x6d: {  	[tilespmem:s0], [sflag:$0x6] =	stream.indirect.gather [hbm4b:s2+s22], $0x80, s22, s22, $0xb8;
	[tilespmem:$0x1C400] =	vst v63  }
.LBB2_2:
0x6e: {  	_ =	swait.ge [sflag:s1], $0x4000  }
0x6f: {  	[sflag:s1] =	ssyncset.done $0x0  }
0x70: {  	[sflag:s1] =	ssyncadd.s32 $0xFFFFC000  }
0x71: {  	[spmem:s3] =	stream.indirect.scatter.add.f32 [tilespmem:s30], [sflag:$0x7], $0x80, s21, s22, $0xb8;
	[tilespmem:$0x1C400] =	vst v63  }
0x72: {  	_ =	swait.ge [sflag:s6], $0x4000  }
0x73: {  	[sflag:s6] =	ssyncset.done $0x0  }
0x74: {  	[sflag:s6] =	ssyncadd.s32 $0xFFFFC000  }
0x75: {  	_ =	swait.ge [sflag:s7], $0x80  }
0x76: {  	[sflag:s7] =	ssyncset.done $0x0  }
0x77: {  	[sflag:s7] =	ssyncadd.s32 $0xFFFFFF80  }
0x78: {  	_ =	swait.ge [sflag:s7], $0x80  }
0x79: {  	[sflag:s7] =	ssyncset.done $0x0  }
0x7a: {  	s15 =	sadd.s32 s14, s20;
	[sflag:s7] =	ssyncadd.s32 $0xFFFFFF80  }
0x7b: {  	[tilespmem:s30], [sflag:$0x5] =	stream.indirect.gather [hbm4b:s2+s22], $0x80, s24, s22, $0xb8;
	[tilespmem:$0x1C400] =	vst v63  }
0x7c: {  	s16 =	sadd.s32 $0x80, s15  }
0x7d: {  	[tilespmem:s4], [sflag:$0x1] =	stream.linear.gather [hbm4b:s16+s4], $0x80, $0x38;
	[tilespmem:$0x1C400] =	vst v63  }
0x7e: {  	s16 =	sadd.s32 $0x90, s15  }
0x7f: {  	[tilespmem:s21], [sflag:$0x1] =	stream.linear.gather [hbm4b:s16+s4], $0x80, $0x38;
	[tilespmem:$0x1C400] =	vst v63  }
0x80: {  	_ =	swait.ge [sflag:s8], $0x4000  }
0x81: {  	[sflag:s8] =	ssyncset.done $0x0  }
0x82: {  	[sflag:s8] =	ssyncadd.s32 $0xFFFFC000  }
0x83: {  	[spmem:s3] =	stream.indirect.scatter.add.f32 [tilespmem:s0], [sflag:$0x7], $0x80, s23, s22, $0xb8;
	[tilespmem:$0x1C400] =	vst v63  }
0x84: {  	_ =	swait.ge [sflag:s6], $0x4000  }
0x85: {  	[sflag:s6] =	ssyncset.done $0x0  }
0x86: {  	[sflag:s6] =	ssyncadd.s32 $0xFFFFC000  }
0x87: {  	_ =	swait.ge [sflag:s9], $0x80  }
0x88: {  	[sflag:s9] =	ssyncset.done $0x0  }
0x89: {  	[sflag:s9] =	ssyncadd.s32 $0xFFFFFF80  }
0x8a: {  	_ =	swait.ge [sflag:s9], $0x80  }
0x8b: {  	[sflag:s9] =	ssyncset.done $0x0  }
0x8c: {  	[sflag:s9] =	ssyncadd.s32 $0xFFFFFF80  }
0x8d: {  	[tilespmem:s0], [sflag:$0x6] =	stream.indirect.gather [hbm4b:s2+s22], $0x80, s26, s22, $0xb8;
	[tilespmem:$0x1C400] =	vst v63  }
0x8e: {  	s16 =	sadd.s32 $0xA0, s15  }
0x8f: {  	[tilespmem:s22], [sflag:$0x2] =	stream.linear.gather [hbm4b:s16+s4], $0x80, $0x38;
	[tilespmem:$0x1C400] =	vst v63  }
0x90: {  	s16 =	sadd.s32 $0xB0, s15  }
0x91: {  	[tilespmem:s23], [sflag:$0x2] =	stream.linear.gather [hbm4b:s16+s4], $0x80, $0x38;
	[tilespmem:$0x1C400] =	vst v63  }
0x92: {  	_ =	swait.ge [sflag:s1], $0x4000  }
0x93: {  	[sflag:s1] =	ssyncset.done $0x0  }
0x94: {  	[sflag:s1] =	ssyncadd.s32 $0xFFFFC000  }
0x95: {  	[spmem:s3] =	stream.indirect.scatter.add.f32 [tilespmem:s30], [sflag:$0x7], $0x80, s25, s22, $0xb8;
	[tilespmem:$0x1C400] =	vst v63  }
0x96: {  	_ =	swait.ge [sflag:s6], $0x4000  }
0x97: {  	[sflag:s6] =	ssyncset.done $0x0  }
0x98: {  	[sflag:s6] =	ssyncadd.s32 $0xFFFFC000  }
0x99: {  	_ =	swait.ge [sflag:s29], $0x80  }
0x9a: {  	[sflag:s29] =	ssyncset.done $0x0  }
0x9b: {  	[sflag:s29] =	ssyncadd.s32 $0xFFFFFF80  }
0x9c: {  	_ =	swait.ge [sflag:s29], $0x80  }
0x9d: {  	[sflag:s29] =	ssyncset.done $0x0  }
0x9e: {  	[sflag:s29] =	ssyncadd.s32 $0xFFFFFF80  }
0x9f: {  	[tilespmem:s30], [sflag:$0x5] =	stream.indirect.gather [hbm4b:s2+s22], $0x80, s4, s22, $0xb8;
	[tilespmem:$0x1C400] =	vst v63  }
0xa0: {  	s16 =	sadd.s32 $0xC0, s15  }
0xa1: {  	[tilespmem:s24], [sflag:$0x3] =	stream.linear.gather [hbm4b:s16+s4], $0x80, $0x38;
	[tilespmem:$0x1C400] =	vst v63  }
0xa2: {  	s16 =	sadd.s32 $0xD0, s15  }
0xa3: {  	[tilespmem:s25], [sflag:$0x3] =	stream.linear.gather [hbm4b:s16+s4], $0x80, $0x38;
	[tilespmem:$0x1C400] =	vst v63  }
0xa4: {  	_ =	swait.ge [sflag:s8], $0x4000  }
0xa5: {  	[sflag:s8] =	ssyncset.done $0x0  }
0xa6: {  	[sflag:s8] =	ssyncadd.s32 $0xFFFFC000  }
0xa7: {  	[spmem:s3] =	stream.indirect.scatter.add.f32 [tilespmem:s0], [sflag:$0x7], $0x80, s28, s22, $0xb8;
	[tilespmem:$0x1C400] =	vst v63  }
0xa8: {  	_ =	swait.ge [sflag:s6], $0x4000  }
0xa9: {  	[sflag:s6] =	ssyncset.done $0x0  }
0xaa: {  	[sflag:s6] =	ssyncadd.s32 $0xFFFFC000  }
0xab: {  	_ =	swait.ge [sflag:s31], $0x80  }
0xac: {  	p1 =	seq.s32 s14, $0x900;
	[sflag:s31] =	ssyncset.done $0x0  }
.Ltmp2:
0xad: {  	[sflag:s31] =	ssyncadd.s32 $0xFFFFFF80;
	(pc) =	sbr.rel @p1 .LBB2_4-.Ltmp2, $4  }
0xae: {  	_ =	swait.ge [sflag:s31], $0x80  }
0xaf: {  	[sflag:s31] =	ssyncset.done $0x0  }
0xb0: {  	[sflag:s31] =	ssyncadd.s32 $0xFFFFFF80  }
0xb1: {  	[tilespmem:s0], [sflag:$0x6] =	stream.indirect.gather [hbm4b:s2+s22], $0x80, s22, s22, $0xb8;
	[tilespmem:$0x1C400] =	vst v63  }
.Ltmp3:
0xb2: {  	(pc) =	sbr.rel .LBB2_2-.Ltmp3, $4  }
0xb3: {  	s16 =	sadd.s32 $0xE0, s15  }
0xb4: {  	[tilespmem:s26], [sflag:$0x4] =	stream.linear.gather [hbm4b:s16+s4], $0x80, $0x38;
	[tilespmem:$0x1C400] =	vst v63  }
0xb5: {  	s14 =	sadd.s32 $0x80, s14;
	s16 =	sadd.s32 $0xF0, s15  }
0xb6: {  	[tilespmem:s28], [sflag:$0x4] =	stream.linear.gather [hbm4b:s16+s4], $0x80, $0x38;
	[tilespmem:$0x1C400] =	vst v63  }
.LBB2_5:
0xb7: {  	_ =	sfence.sel $0x180000  }
0xb8: {  	[bflag:$0x0] =	sbarrier.arrive $0xFFFF  }
0xb9: {  	_ =	strace $0x9000004A  }
0xba: {  	s0 =	stileid.u32;
	[bflag:$0x2] =	sbarrier.arrive $0xFFFF  }
0xbb: {  	p0 =	sne.s32 s0, $0x0;
	s0 =	rddreg [dreg:$0x3]  }
0xbc: {  	s0 =	sadd.s32 @!p0 $0x100000, s0  }
0xbd: {  	[sflag:s0] =	ssyncadd.tile.s32 @!p0 $0x1;
	_ =	shalt  }
.Lfunc_end2:
_tile_overlayer_lowered:
.L_overlay_start_2:
0xbe: {  	(tag) =	ssettag $0x2  }
0xbf: {  	s0 =	rddreg [dreg:$0x0];
	s2 =	stileid.u32  }
0xc0: {  	s1 =	rddreg [dreg:$0x1];
	p0 =	sne.s32 s2, $0x0  }
0xc1: {  	s3 =	rddreg [dreg:$0x2];
	[bflag:$0x3] =	sbarrier.arrive $0xFFFF;
	s2 =	simm.s32 @!p0 $0x1C07  }
0xc2: {  	[timem:s3], [sflag:s2] =	dma.local @!p0 [hbm:s0], s1  }
0xc3: {  	s0 =	simm.s32 @!p0 $0x7  }
0xc4: {  	_ =	swait.ge @!p0 [sflag:s0], s1  }
0xc5: {  	s1 =	ssub.s32 @!p0 $0x0, s1;
	[sflag:s0] =	ssyncset.done @!p0 $0x0  }
0xc6: {  	[sflag:s0] =	ssyncadd.s32 @!p0 s1  }
0xc7: {  	[bflag:$0x3] =	sbarrier.arrive $0xFFFF  }
0xc8: {  	_ =	shalt  }

</sc_bundles>
